<compile_context>
chip_gen: v7x
topology: tpu7x:2x2x1
jax: 0.10.2.dev20260603
libtpu: 0.0.44.dev20260713+nightly
codegen_flags: <defaults>
</compile_context>

<pallas_src>
import functools

import jax
import jax.numpy as jnp
from jax import lax
from jax.experimental import pallas as pl
from jax.experimental.pallas import tpu as pltpu, tpu_sc as plsc


def kernel(state, policy):
    (B,) = state.shape
    V, D = policy.shape
    info = plsc.get_sparse_core_info()
    nw = info.num_cores * info.num_subcores
    n_vreg = B // 16
    nb = -(-V // 128)
    nb_full = V // 128
    tail_w = V - nb_full * 128
    n_bk = 272

    pt = policy.T

    mesh = plsc.VectorSubcoreMesh(core_axis_name="c", subcore_axis_name="s")

    @functools.partial(
        pl.kernel,
        mesh=mesh,
        compiler_params=pltpu.CompilerParams(needs_layout_passes=False),
        out_type=jax.ShapeDtypeStruct((B + 32, 128), jnp.float32),
        scratch_types=[
            pltpu.VMEM((B,), jnp.int32),
            pltpu.VMEM((B + 16,), jnp.int32),
            pltpu.VMEM((B + 16,), jnp.int32),
            pltpu.VMEM((B + 16,), jnp.int32),
            pltpu.VMEM((n_bk,), jnp.int32),
            pltpu.VMEM((n_bk,), jnp.int32),
            pltpu.VMEM((n_bk,), jnp.int32),
            pltpu.VMEM((6, D, 128), jnp.float32),
            pltpu.VMEM((D, tail_w), jnp.float32),
            pltpu.VMEM((32, 128), jnp.float32),
            pltpu.VMEM((32,), jnp.int32),
            pltpu.SemaphoreType.DMA,
            pltpu.SemaphoreType.DMA,
        ],
    )
    def gather_k(idx_hbm, table_hbm, out_hbm, alli, myi, myr, sidx,
                 hist, offs0, offs_run, ring, endb, obuf, orow, sem_r, sem_o):
        w = lax.axis_index("s") * info.num_cores + lax.axis_index("c")
        iota = lax.iota(jnp.int32, 16)
        khi = 244 + (w < 4).astype(jnp.int32)

        def fire(k):
            start = pl.multiple_of((k * 32 + w) * 128, 128)
            return pltpu.async_copy(
                table_hbm.at[:, pl.ds(start, 128)],
                ring.at[lax.rem(k, 6)], sem_r)

        for d in range(5):
            fire(d)

        pltpu.sync_copy(idx_hbm, alli)
        trash = jnp.full((16,), B, jnp.int32) + iota
        orow[pl.ds(0, 16)] = trash
        orow[pl.ds(16, 16)] = trash
        for hv in range(n_bk // 16):
            hist[pl.ds(hv * 16, 16)] = jnp.zeros((16,), jnp.int32)

        def splat16(x):
            return jnp.full((16,), 0, jnp.int32) + x

        def route(q, cnt):
            iv = alli[pl.ds(q * 16, 16)]
            m = ((iv >> 7) & 31) == w
            mi = m.astype(jnp.int32)
            pre = jnp.cumsum(mi)
            pos = jnp.where(m, cnt + pre - 1, B)
            plsc.store_scatter(myi, [pos], iv)
            plsc.store_scatter(myr, [pos], iota + q * 16)
            return cnt + jnp.sum(mi)

        my_n = lax.fori_loop(0, n_vreg, route, 0)

        def histk(k, _):
            i_s = jnp.max(plsc.load_gather(myi, [splat16(k)]))
            bl = i_s >> 12
            h = plsc.load_gather(hist, [splat16(bl)])
            plsc.store_scatter(hist, [splat16(bl)], h + 1)
            return 0

        lax.fori_loop(0, my_n, histk, 0)

        def pref(hv, carry):
            hvv = hist[pl.ds(hv * 16, 16)]
            inc = jnp.cumsum(hvv)
            exc = inc - hvv + carry
            offs0[pl.ds(hv * 16, 16)] = exc
            offs_run[pl.ds(hv * 16, 16)] = exc
            return carry + jnp.max(inc)

        lax.fori_loop(0, n_bk // 16, pref, 0)

        def place(k, _):
            isp = plsc.load_gather(myi, [splat16(k)])
            rsp = plsc.load_gather(myr, [splat16(k)])
            bl = jnp.max(isp) >> 12
            p = jnp.max(plsc.load_gather(offs_run, [splat16(bl)]))
            plsc.store_scatter(offs_run, [splat16(bl)], splat16(p + 1))
            plsc.store_scatter(sidx, [splat16(p)], (rsp << 7) | (isp & 127))
            return 0

        lax.fori_loop(0, my_n, place, 0)

        def emit_row(buf, k, cnt_o):
            sp = plsc.load_gather(sidx, [splat16(k)])
            rsp = sp >> 7
            lane = sp & 127
            o = cnt_o & 31
            for jg in range(D // 16):
                jv = iota + jg * 16
                vals = plsc.load_gather(buf, [jv, lane])
                plsc.store_scatter(obuf, [splat16(o), jv], vals)
            plsc.store_scatter(orow, [splat16(o)], rsp)

            @pl.when(o == 31)
            def _():
                pltpu.async_copy(obuf, out_hbm.at[orow], sem_o).wait()

            return cnt_o + 1

        def nonempty(bl):
            lo = jnp.max(plsc.load_gather(offs0, [splat16(bl)]))
            hi = jnp.max(plsc.load_gather(offs0, [splat16(bl + 1)]))
            return lo, hi

        def swp(k, cnt_o):
            @pl.when(k + 5 < khi)
            def _():
                lo5, hi5 = nonempty(k + 5)

                @pl.when(hi5 > lo5)
                def _():
                    fire(k + 5)

            o0, o1 = nonempty(k)

            @pl.when((k < 5) | (o1 > o0))
            def _():
                pltpu.make_async_copy(
                    table_hbm.at[:, pl.ds(0, 128)], ring.at[0], sem_r
                ).wait()

            slot = lax.rem(k, 6)

            def row(r, cnt_o):
                return emit_row(ring.at[slot], r, cnt_o)

            return lax.fori_loop(o0, o1, row, cnt_o)

        cnt_o = lax.fori_loop(0, khi, swp, 0)

        pltpu.sync_copy(table_hbm.at[:, pl.ds(nb_full * 128, tail_w)], endb)
        ebl = jnp.where(w == (nb_full & 31), nb_full >> 5, n_bk - 2)
        e0 = jnp.max(plsc.load_gather(offs0, [splat16(ebl)]))
        e1 = jnp.max(plsc.load_gather(offs0, [splat16(ebl + 1)]))
        def erow(k, cnt_o):
            return emit_row(endb, k, cnt_o)

        cnt_o = lax.fori_loop(e0, e1, erow, cnt_o)

        @pl.when((cnt_o & 31) != 0)
        def _():
            pltpu.async_copy(obuf, out_hbm.at[orow], sem_o).wait()

    out128 = gather_k(state.astype(jnp.int32), pt)
    return out128[:B, :D]

# --- scband reference (transcript-rebuilt; emitter-appended) ---
"""Pipeline reference for scband-tabular-a2-c-18159121728014 (READ-ONLY COPY).

The authoritative reference and input builder live on the scoring server;
editing this copy changes nothing except your own understanding.
"""

import jax, jax.numpy as jnp
import numpy as np

N_STATES = 1000000
N_ACTIONS = 64
BATCH = 16384

def setup_inputs(seed: int = 0) -> dict:
    key = jax.random.key(seed)
    k1, k2 = jax.random.split(key)
    state = jax.random.randint(k1, (BATCH,), 0, N_STATES, dtype=jnp.int64 if jax.config.jax_enable_x64 else jnp.int32)
    policy = jax.random.normal(k2, (N_STATES, N_ACTIONS), dtype=jnp.float32)
    return {"state": state, "policy": policy}

def reference(state, policy):
    # torch.index_select(self.policy, 0, state) == gather rows of policy
    return jnp.take(policy, state, axis=0)

if __name__ == "__main__":
    import jax
    _d = setup_inputs()
    print(jax.jit(kernel)(*tuple(_d.values())))

</pallas_src>

<mosaic_0001>
#map = affine_map<(d0, d1) -> (0)>
#map1 = affine_map<(d0, d1) -> (0, 0)>
module attributes {stable_mosaic.version = 14 : i64} {
  func.func @gather_k(%arg0: i32, %arg1: i32, %arg2: memref<16384xi32, #tpu.memory_space<hbm>>, %arg3: memref<64x1000000xf32, #tpu.memory_space<hbm>>, %arg4: memref<16416x128xf32, #tpu.memory_space<hbm>>, %arg5: memref<16384xi32, #tpu.memory_space<vmem>>, %arg6: memref<16400xi32, #tpu.memory_space<vmem>>, %arg7: memref<16400xi32, #tpu.memory_space<vmem>>, %arg8: memref<16400xi32, #tpu.memory_space<vmem>>, %arg9: memref<272xi32, #tpu.memory_space<vmem>>, %arg10: memref<272xi32, #tpu.memory_space<vmem>>, %arg11: memref<272xi32, #tpu.memory_space<vmem>>, %arg12: memref<6x64x128xf32, #tpu.memory_space<vmem>>, %arg13: memref<64x64xf32, #tpu.memory_space<vmem>>, %arg14: memref<32x128xf32, #tpu.memory_space<vmem>>, %arg15: memref<32xi32, #tpu.memory_space<vmem>>, %arg16: memref<!tpu.dma_semaphore, #tpu.memory_space<semaphore_mem>>, %arg17: memref<!tpu.dma_semaphore, #tpu.memory_space<semaphore_mem>>) attributes {dimension_semantics = [#tpu.dimension_semantics<core_parallel>, #tpu.dimension_semantics<subcore_parallel>], iteration_bounds = array<i64: 2, 16>, scalar_prefetch = 0 : i64, scratch_operands = 13 : i64, tpu.core_type = #tpu.core_type<sc_vector_subcore>, window_params = [{transform_indices = #map}, {transform_indices = #map1}, {transform_indices = #map1}]} {
    %mul3A = arith.constant 2 : i32
    %mul3A_0 = arith.muli %arg1, %mul3A : i32
    %add3A = arith.addi %mul3A_0, %arg0 : i32
    %iota3A = tpu.iota {dimensions = array<i32: 0>} : vector<16xi32>
    %lt3A = arith.constant 4 : i32
    %lt3A_1 = arith.cmpi slt, %add3A, %lt3A : i32
    %convert_element_type3A = arith.extui %lt3A_1 : i1 to i32
    %add3A_2 = arith.constant 244 : i32
    %add3A_3 = arith.addi %add3A_2, %convert_element_type3A : i32
    %add3A_4 = arith.constant 0 : i32
    %add3A_5 = arith.addi %add3A_4, %add3A : i32
    %mul3A_6 = arith.constant 128 : i32
    %mul3A_7 = arith.muli %add3A_5, %mul3A_6 : i32
    %multiple_of3A = tpu.assume_multiple %mul3A_7, 128 : i32
    %rem3A = arith.constant 0 : i32
    %rem3A_8 = arith.constant 6 : i32
    %rem3A_9 = arith.remsi %rem3A, %rem3A_8 : i32
    %dma_start3A = arith.constant 0 : i32
    %dma_start3A_10 = arith.constant 0 : i32
    %dma_start3A_11 = tpu.memref_slice %arg12[%rem3A_9, %dma_start3A, %dma_start3A_10] : memref<6x64x128xf32, #tpu.memory_space<vmem>> -> memref<1x64x128xf32, #tpu.memory_space<vmem>>
    %dma_start3A_12 = tpu.memref_squeeze %dma_start3A_11 : memref<1x64x128xf32, #tpu.memory_space<vmem>> -> memref<64x128xf32, #tpu.memory_space<vmem>>
    %dma_start3A_13 = arith.constant 0 : i32
    %dma_start3A_14 = tpu.memref_slice %arg3[%dma_start3A_13, %multiple_of3A] : memref<64x1000000xf32, #tpu.memory_space<hbm>> -> memref<64x128xf32, #tpu.memory_space<hbm>>
    %dma_start3A_15 = arith.constant 0 : i32
    %dma_start3A_16 = arith.constant 0 : i32
    %dma_start3A_17 = tpu.memref_slice %arg12[%rem3A_9, %dma_start3A_15, %dma_start3A_16] : memref<6x64x128xf32, #tpu.memory_space<vmem>> -> memref<1x64x128xf32, #tpu.memory_space<vmem>>
    %dma_start3A_18 = tpu.memref_squeeze %dma_start3A_17 : memref<1x64x128xf32, #tpu.memory_space<vmem>> -> memref<64x128xf32, #tpu.memory_space<vmem>>
    %dma_start3A_19 = arith.constant 0 : i32
    %dma_start3A_20 = tpu.memref_slice %arg3[%dma_start3A_19, %multiple_of3A] : memref<64x1000000xf32, #tpu.memory_space<hbm>> -> memref<64x128xf32, #tpu.memory_space<hbm>>
    tpu.enqueue_dma source(%dma_start3A_20 : memref<64x128xf32, #tpu.memory_space<hbm>>) target(%dma_start3A_18 : memref<64x128xf32, #tpu.memory_space<vmem>>) target_semaphore(%arg16 : memref<!tpu.dma_semaphore, #tpu.memory_space<semaphore_mem>>)
    %add3A_21 = arith.constant 32 : i32
    %add3A_22 = arith.addi %add3A_21, %add3A : i32
    %mul3A_23 = arith.constant 128 : i32
    %mul3A_24 = arith.muli %add3A_22, %mul3A_23 : i32
    %multiple_of3A_25 = tpu.assume_multiple %mul3A_24, 128 : i32
    %rem3A_26 = arith.constant 1 : i32
    %rem3A_27 = arith.constant 6 : i32
    %rem3A_28 = arith.remsi %rem3A_26, %rem3A_27 : i32
    %dma_start3A_29 = arith.constant 0 : i32
    %dma_start3A_30 = arith.constant 0 : i32
    %dma_start3A_31 = tpu.memref_slice %arg12[%rem3A_28, %dma_start3A_29, %dma_start3A_30] : memref<6x64x128xf32, #tpu.memory_space<vmem>> -> memref<1x64x128xf32, #tpu.memory_space<vmem>>
    %dma_start3A_32 = tpu.memref_squeeze %dma_start3A_31 : memref<1x64x128xf32, #tpu.memory_space<vmem>> -> memref<64x128xf32, #tpu.memory_space<vmem>>
    %dma_start3A_33 = arith.constant 0 : i32
    %dma_start3A_34 = tpu.memref_slice %arg3[%dma_start3A_33, %multiple_of3A_25] : memref<64x1000000xf32, #tpu.memory_space<hbm>> -> memref<64x128xf32, #tpu.memory_space<hbm>>
    %dma_start3A_35 = arith.constant 0 : i32
    %dma_start3A_36 = arith.constant 0 : i32
    %dma_start3A_37 = tpu.memref_slice %arg12[%rem3A_28, %dma_start3A_35, %dma_start3A_36] : memref<6x64x128xf32, #tpu.memory_space<vmem>> -> memref<1x64x128xf32, #tpu.memory_space<vmem>>
    %dma_start3A_38 = tpu.memref_squeeze %dma_start3A_37 : memref<1x64x128xf32, #tpu.memory_space<vmem>> -> memref<64x128xf32, #tpu.memory_space<vmem>>
    %dma_start3A_39 = arith.constant 0 : i32
    %dma_start3A_40 = tpu.memref_slice %arg3[%dma_start3A_39, %multiple_of3A_25] : memref<64x1000000xf32, #tpu.memory_space<hbm>> -> memref<64x128xf32, #tpu.memory_space<hbm>>
    tpu.enqueue_dma source(%dma_start3A_40 : memref<64x128xf32, #tpu.memory_space<hbm>>) target(%dma_start3A_38 : memref<64x128xf32, #tpu.memory_space<vmem>>) target_semaphore(%arg16 : memref<!tpu.dma_semaphore, #tpu.memory_space<semaphore_mem>>)
    %add3A_41 = arith.constant 64 : i32
    %add3A_42 = arith.addi %add3A_41, %add3A : i32
    %mul3A_43 = arith.constant 128 : i32
    %mul3A_44 = arith.muli %add3A_42, %mul3A_43 : i32
    %multiple_of3A_45 = tpu.assume_multiple %mul3A_44, 128 : i32
    %rem3A_46 = arith.constant 2 : i32
    %rem3A_47 = arith.constant 6 : i32
    %rem3A_48 = arith.remsi %rem3A_46, %rem3A_47 : i32
    %dma_start3A_49 = arith.constant 0 : i32
    %dma_start3A_50 = arith.constant 0 : i32
    %dma_start3A_51 = tpu.memref_slice %arg12[%rem3A_48, %dma_start3A_49, %dma_start3A_50] : memref<6x64x128xf32, #tpu.memory_space<vmem>> -> memref<1x64x128xf32, #tpu.memory_space<vmem>>
    %dma_start3A_52 = tpu.memref_squeeze %dma_start3A_51 : memref<1x64x128xf32, #tpu.memory_space<vmem>> -> memref<64x128xf32, #tpu.memory_space<vmem>>
    %dma_start3A_53 = arith.constant 0 : i32
    %dma_start3A_54 = tpu.memref_slice %arg3[%dma_start3A_53, %multiple_of3A_45] : memref<64x1000000xf32, #tpu.memory_space<hbm>> -> memref<64x128xf32, #tpu.memory_space<hbm>>
    %dma_start3A_55 = arith.constant 0 : i32
    %dma_start3A_56 = arith.constant 0 : i32
    %dma_start3A_57 = tpu.memref_slice %arg12[%rem3A_48, %dma_start3A_55, %dma_start3A_56] : memref<6x64x128xf32, #tpu.memory_space<vmem>> -> memref<1x64x128xf32, #tpu.memory_space<vmem>>
    %dma_start3A_58 = tpu.memref_squeeze %dma_start3A_57 : memref<1x64x128xf32, #tpu.memory_space<vmem>> -> memref<64x128xf32, #tpu.memory_space<vmem>>
    %dma_start3A_59 = arith.constant 0 : i32
    %dma_start3A_60 = tpu.memref_slice %arg3[%dma_start3A_59, %multiple_of3A_45] : memref<64x1000000xf32, #tpu.memory_space<hbm>> -> memref<64x128xf32, #tpu.memory_space<hbm>>
    tpu.enqueue_dma source(%dma_start3A_60 : memref<64x128xf32, #tpu.memory_space<hbm>>) target(%dma_start3A_58 : memref<64x128xf32, #tpu.memory_space<vmem>>) target_semaphore(%arg16 : memref<!tpu.dma_semaphore, #tpu.memory_space<semaphore_mem>>)
    %add3A_61 = arith.constant 96 : i32
    %add3A_62 = arith.addi %add3A_61, %add3A : i32
    %mul3A_63 = arith.constant 128 : i32
    %mul3A_64 = arith.muli %add3A_62, %mul3A_63 : i32
    %multiple_of3A_65 = tpu.assume_multiple %mul3A_64, 128 : i32
    %rem3A_66 = arith.constant 3 : i32
    %rem3A_67 = arith.constant 6 : i32
    %rem3A_68 = arith.remsi %rem3A_66, %rem3A_67 : i32
    %dma_start3A_69 = arith.constant 0 : i32
    %dma_start3A_70 = arith.constant 0 : i32
    %dma_start3A_71 = tpu.memref_slice %arg12[%rem3A_68, %dma_start3A_69, %dma_start3A_70] : memref<6x64x128xf32, #tpu.memory_space<vmem>> -> memref<1x64x128xf32, #tpu.memory_space<vmem>>
    %dma_start3A_72 = tpu.memref_squeeze %dma_start3A_71 : memref<1x64x128xf32, #tpu.memory_space<vmem>> -> memref<64x128xf32, #tpu.memory_space<vmem>>
    %dma_start3A_73 = arith.constant 0 : i32
    %dma_start3A_74 = tpu.memref_slice %arg3[%dma_start3A_73, %multiple_of3A_65] : memref<64x1000000xf32, #tpu.memory_space<hbm>> -> memref<64x128xf32, #tpu.memory_space<hbm>>
    %dma_start3A_75 = arith.constant 0 : i32
    %dma_start3A_76 = arith.constant 0 : i32
    %dma_start3A_77 = tpu.memref_slice %arg12[%rem3A_68, %dma_start3A_75, %dma_start3A_76] : memref<6x64x128xf32, #tpu.memory_space<vmem>> -> memref<1x64x128xf32, #tpu.memory_space<vmem>>
    %dma_start3A_78 = tpu.memref_squeeze %dma_start3A_77 : memref<1x64x128xf32, #tpu.memory_space<vmem>> -> memref<64x128xf32, #tpu.memory_space<vmem>>
    %dma_start3A_79 = arith.constant 0 : i32
    %dma_start3A_80 = tpu.memref_slice %arg3[%dma_start3A_79, %multiple_of3A_65] : memref<64x1000000xf32, #tpu.memory_space<hbm>> -> memref<64x128xf32, #tpu.memory_space<hbm>>
    tpu.enqueue_dma source(%dma_start3A_80 : memref<64x128xf32, #tpu.memory_space<hbm>>) target(%dma_start3A_78 : memref<64x128xf32, #tpu.memory_space<vmem>>) target_semaphore(%arg16 : memref<!tpu.dma_semaphore, #tpu.memory_space<semaphore_mem>>)
    %add3A_81 = arith.constant 128 : i32
    %add3A_82 = arith.addi %add3A_81, %add3A : i32
    %mul3A_83 = arith.constant 128 : i32
    %mul3A_84 = arith.muli %add3A_82, %mul3A_83 : i32
    %multiple_of3A_85 = tpu.assume_multiple %mul3A_84, 128 : i32
    %rem3A_86 = arith.constant 4 : i32
    %rem3A_87 = arith.constant 6 : i32
    %rem3A_88 = arith.remsi %rem3A_86, %rem3A_87 : i32
    %dma_start3A_89 = arith.constant 0 : i32
    %dma_start3A_90 = arith.constant 0 : i32
    %dma_start3A_91 = tpu.memref_slice %arg12[%rem3A_88, %dma_start3A_89, %dma_start3A_90] : memref<6x64x128xf32, #tpu.memory_space<vmem>> -> memref<1x64x128xf32, #tpu.memory_space<vmem>>
    %dma_start3A_92 = tpu.memref_squeeze %dma_start3A_91 : memref<1x64x128xf32, #tpu.memory_space<vmem>> -> memref<64x128xf32, #tpu.memory_space<vmem>>
    %dma_start3A_93 = arith.constant 0 : i32
    %dma_start3A_94 = tpu.memref_slice %arg3[%dma_start3A_93, %multiple_of3A_85] : memref<64x1000000xf32, #tpu.memory_space<hbm>> -> memref<64x128xf32, #tpu.memory_space<hbm>>
    %dma_start3A_95 = arith.constant 0 : i32
    %dma_start3A_96 = arith.constant 0 : i32
    %dma_start3A_97 = tpu.memref_slice %arg12[%rem3A_88, %dma_start3A_95, %dma_start3A_96] : memref<6x64x128xf32, #tpu.memory_space<vmem>> -> memref<1x64x128xf32, #tpu.memory_space<vmem>>
    %dma_start3A_98 = tpu.memref_squeeze %dma_start3A_97 : memref<1x64x128xf32, #tpu.memory_space<vmem>> -> memref<64x128xf32, #tpu.memory_space<vmem>>
    %dma_start3A_99 = arith.constant 0 : i32
    %dma_start3A_100 = tpu.memref_slice %arg3[%dma_start3A_99, %multiple_of3A_85] : memref<64x1000000xf32, #tpu.memory_space<hbm>> -> memref<64x128xf32, #tpu.memory_space<hbm>>
    tpu.enqueue_dma source(%dma_start3A_100 : memref<64x128xf32, #tpu.memory_space<hbm>>) target(%dma_start3A_98 : memref<64x128xf32, #tpu.memory_space<vmem>>) target_semaphore(%arg16 : memref<!tpu.dma_semaphore, #tpu.memory_space<semaphore_mem>>)
    "tpu.region"() ({
      %run_scoped3A = tpu.sem_alloc : memref<!tpu.dma_semaphore, #tpu.memory_space<semaphore_mem>>
      tpu.enqueue_dma source(%arg2 : memref<16384xi32, #tpu.memory_space<hbm>>) target(%arg5 : memref<16384xi32, #tpu.memory_space<vmem>>) target_semaphore(%run_scoped3A : memref<!tpu.dma_semaphore, #tpu.memory_space<semaphore_mem>>)
      tpu.wait_dma2 semaphore(%run_scoped3A : memref<!tpu.dma_semaphore, #tpu.memory_space<semaphore_mem>>) src(%arg2 : memref<16384xi32, #tpu.memory_space<hbm>>) dst(%arg5 : memref<16384xi32, #tpu.memory_space<vmem>>)
      tpu.yield
    }) : () -> ()
    %broadcast_in_dim3A = arith.constant 16384 : i32
    %broadcast_in_dim3A_101 = vector.broadcast %broadcast_in_dim3A : i32 to vector<16xi32>
    %add3A_102 = arith.addi %broadcast_in_dim3A_101, %iota3A : vector<16xi32>
    %swap3A = arith.constant 0 : index
    %swap3A_103 = tpu.vector_load %arg15[%swap3A] {strides = array<i32>} : memref<32xi32, #tpu.memory_space<vmem>>, vector<16xi32>,
    tpu.vector_store %arg15[%swap3A], %add3A_102 {strides = array<i32>} : memref<32xi32, #tpu.memory_space<vmem>>, vector<16xi32>,
    %swap3A_104 = arith.constant 16 : index
    %swap3A_105 = tpu.vector_load %arg15[%swap3A_104] {strides = array<i32>} : memref<32xi32, #tpu.memory_space<vmem>>, vector<16xi32>,
    tpu.vector_store %arg15[%swap3A_104], %add3A_102 {strides = array<i32>} : memref<32xi32, #tpu.memory_space<vmem>>, vector<16xi32>,
    %broadcast_in_dim3A_106 = arith.constant 0 : i32
    %broadcast_in_dim3A_107 = vector.broadcast %broadcast_in_dim3A_106 : i32 to vector<16xi32>
    %swap3A_108 = arith.constant 0 : index
    %swap3A_109 = tpu.vector_load %arg9[%swap3A_108] {strides = array<i32>} : memref<272xi32, #tpu.memory_space<vmem>>, vector<16xi32>,
    tpu.vector_store %arg9[%swap3A_108], %broadcast_in_dim3A_107 {strides = array<i32>} : memref<272xi32, #tpu.memory_space<vmem>>, vector<16xi32>,
    %broadcast_in_dim3A_110 = arith.constant 0 : i32
    %broadcast_in_dim3A_111 = vector.broadcast %broadcast_in_dim3A_110 : i32 to vector<16xi32>
    %swap3A_112 = arith.constant 16 : index
    %swap3A_113 = tpu.vector_load %arg9[%swap3A_112] {strides = array<i32>} : memref<272xi32, #tpu.memory_space<vmem>>, vector<16xi32>,
    tpu.vector_store %arg9[%swap3A_112], %broadcast_in_dim3A_111 {strides = array<i32>} : memref<272xi32, #tpu.memory_space<vmem>>, vector<16xi32>,
    %broadcast_in_dim3A_114 = arith.constant 0 : i32
    %broadcast_in_dim3A_115 = vector.broadcast %broadcast_in_dim3A_114 : i32 to vector<16xi32>
    %swap3A_116 = arith.constant 32 : index
    %swap3A_117 = tpu.vector_load %arg9[%swap3A_116] {strides = array<i32>} : memref<272xi32, #tpu.memory_space<vmem>>, vector<16xi32>,
    tpu.vector_store %arg9[%swap3A_116], %broadcast_in_dim3A_115 {strides = array<i32>} : memref<272xi32, #tpu.memory_space<vmem>>, vector<16xi32>,
    %broadcast_in_dim3A_118 = arith.constant 0 : i32
    %broadcast_in_dim3A_119 = vector.broadcast %broadcast_in_dim3A_118 : i32 to vector<16xi32>
    %swap3A_120 = arith.constant 48 : index
    %swap3A_121 = tpu.vector_load %arg9[%swap3A_120] {strides = array<i32>} : memref<272xi32, #tpu.memory_space<vmem>>, vector<16xi32>,
    tpu.vector_store %arg9[%swap3A_120], %broadcast_in_dim3A_119 {strides = array<i32>} : memref<272xi32, #tpu.memory_space<vmem>>, vector<16xi32>,
    %broadcast_in_dim3A_122 = arith.constant 0 : i32
    %broadcast_in_dim3A_123 = vector.broadcast %broadcast_in_dim3A_122 : i32 to vector<16xi32>
    %swap3A_124 = arith.constant 64 : index
    %swap3A_125 = tpu.vector_load %arg9[%swap3A_124] {strides = array<i32>} : memref<272xi32, #tpu.memory_space<vmem>>, vector<16xi32>,
    tpu.vector_store %arg9[%swap3A_124], %broadcast_in_dim3A_123 {strides = array<i32>} : memref<272xi32, #tpu.memory_space<vmem>>, vector<16xi32>,
    %broadcast_in_dim3A_126 = arith.constant 0 : i32
    %broadcast_in_dim3A_127 = vector.broadcast %broadcast_in_dim3A_126 : i32 to vector<16xi32>
    %swap3A_128 = arith.constant 80 : index
    %swap3A_129 = tpu.vector_load %arg9[%swap3A_128] {strides = array<i32>} : memref<272xi32, #tpu.memory_space<vmem>>, vector<16xi32>,
    tpu.vector_store %arg9[%swap3A_128], %broadcast_in_dim3A_127 {strides = array<i32>} : memref<272xi32, #tpu.memory_space<vmem>>, vector<16xi32>,
    %broadcast_in_dim3A_130 = arith.constant 0 : i32
    %broadcast_in_dim3A_131 = vector.broadcast %broadcast_in_dim3A_130 : i32 to vector<16xi32>
    %swap3A_132 = arith.constant 96 : index
    %swap3A_133 = tpu.vector_load %arg9[%swap3A_132] {strides = array<i32>} : memref<272xi32, #tpu.memory_space<vmem>>, vector<16xi32>,
    tpu.vector_store %arg9[%swap3A_132], %broadcast_in_dim3A_131 {strides = array<i32>} : memref<272xi32, #tpu.memory_space<vmem>>, vector<16xi32>,
    %broadcast_in_dim3A_134 = arith.constant 0 : i32
    %broadcast_in_dim3A_135 = vector.broadcast %broadcast_in_dim3A_134 : i32 to vector<16xi32>
    %swap3A_136 = arith.constant 112 : index
    %swap3A_137 = tpu.vector_load %arg9[%swap3A_136] {strides = array<i32>} : memref<272xi32, #tpu.memory_space<vmem>>, vector<16xi32>,
    tpu.vector_store %arg9[%swap3A_136], %broadcast_in_dim3A_135 {strides = array<i32>} : memref<272xi32, #tpu.memory_space<vmem>>, vector<16xi32>,
    %broadcast_in_dim3A_138 = arith.constant 0 : i32
    %broadcast_in_dim3A_139 = vector.broadcast %broadcast_in_dim3A_138 : i32 to vector<16xi32>
    %swap3A_140 = arith.constant 128 : index
    %swap3A_141 = tpu.vector_load %arg9[%swap3A_140] {strides = array<i32>} : memref<272xi32, #tpu.memory_space<vmem>>, vector<16xi32>,
    tpu.vector_store %arg9[%swap3A_140], %broadcast_in_dim3A_139 {strides = array<i32>} : memref<272xi32, #tpu.memory_space<vmem>>, vector<16xi32>,
    %broadcast_in_dim3A_142 = arith.constant 0 : i32
    %broadcast_in_dim3A_143 = vector.broadcast %broadcast_in_dim3A_142 : i32 to vector<16xi32>
    %swap3A_144 = arith.constant 144 : index
    %swap3A_145 = tpu.vector_load %arg9[%swap3A_144] {strides = array<i32>} : memref<272xi32, #tpu.memory_space<vmem>>, vector<16xi32>,
    tpu.vector_store %arg9[%swap3A_144], %broadcast_in_dim3A_143 {strides = array<i32>} : memref<272xi32, #tpu.memory_space<vmem>>, vector<16xi32>,
    %broadcast_in_dim3A_146 = arith.constant 0 : i32
    %broadcast_in_dim3A_147 = vector.broadcast %broadcast_in_dim3A_146 : i32 to vector<16xi32>
    %swap3A_148 = arith.constant 160 : index
    %swap3A_149 = tpu.vector_load %arg9[%swap3A_148] {strides = array<i32>} : memref<272xi32, #tpu.memory_space<vmem>>, vector<16xi32>,
    tpu.vector_store %arg9[%swap3A_148], %broadcast_in_dim3A_147 {strides = array<i32>} : memref<272xi32, #tpu.memory_space<vmem>>, vector<16xi32>,
    %broadcast_in_dim3A_150 = arith.constant 0 : i32
    %broadcast_in_dim3A_151 = vector.broadcast %broadcast_in_dim3A_150 : i32 to vector<16xi32>
    %swap3A_152 = arith.constant 176 : index
    %swap3A_153 = tpu.vector_load %arg9[%swap3A_152] {strides = array<i32>} : memref<272xi32, #tpu.memory_space<vmem>>, vector<16xi32>,
    tpu.vector_store %arg9[%swap3A_152], %broadcast_in_dim3A_151 {strides = array<i32>} : memref<272xi32, #tpu.memory_space<vmem>>, vector<16xi32>,
    %broadcast_in_dim3A_154 = arith.constant 0 : i32
    %broadcast_in_dim3A_155 = vector.broadcast %broadcast_in_dim3A_154 : i32 to vector<16xi32>
    %swap3A_156 = arith.constant 192 : index
    %swap3A_157 = tpu.vector_load %arg9[%swap3A_156] {strides = array<i32>} : memref<272xi32, #tpu.memory_space<vmem>>, vector<16xi32>,
    tpu.vector_store %arg9[%swap3A_156], %broadcast_in_dim3A_155 {strides = array<i32>} : memref<272xi32, #tpu.memory_space<vmem>>, vector<16xi32>,
    %broadcast_in_dim3A_158 = arith.constant 0 : i32
    %broadcast_in_dim3A_159 = vector.broadcast %broadcast_in_dim3A_158 : i32 to vector<16xi32>
    %swap3A_160 = arith.constant 208 : index
    %swap3A_161 = tpu.vector_load %arg9[%swap3A_160] {strides = array<i32>} : memref<272xi32, #tpu.memory_space<vmem>>, vector<16xi32>,
    tpu.vector_store %arg9[%swap3A_160], %broadcast_in_dim3A_159 {strides = array<i32>} : memref<272xi32, #tpu.memory_space<vmem>>, vector<16xi32>,
    %broadcast_in_dim3A_162 = arith.constant 0 : i32
    %broadcast_in_dim3A_163 = vector.broadcast %broadcast_in_dim3A_162 : i32 to vector<16xi32>
    %swap3A_164 = arith.constant 224 : index
    %swap3A_165 = tpu.vector_load %arg9[%swap3A_164] {strides = array<i32>} : memref<272xi32, #tpu.memory_space<vmem>>, vector<16xi32>,
    tpu.vector_store %arg9[%swap3A_164], %broadcast_in_dim3A_163 {strides = array<i32>} : memref<272xi32, #tpu.memory_space<vmem>>, vector<16xi32>,
    %broadcast_in_dim3A_166 = arith.constant 0 : i32
    %broadcast_in_dim3A_167 = vector.broadcast %broadcast_in_dim3A_166 : i32 to vector<16xi32>
    %swap3A_168 = arith.constant 240 : index
    %swap3A_169 = tpu.vector_load %arg9[%swap3A_168] {strides = array<i32>} : memref<272xi32, #tpu.memory_space<vmem>>, vector<16xi32>,
    tpu.vector_store %arg9[%swap3A_168], %broadcast_in_dim3A_167 {strides = array<i32>} : memref<272xi32, #tpu.memory_space<vmem>>, vector<16xi32>,
    %broadcast_in_dim3A_170 = arith.constant 0 : i32
    %broadcast_in_dim3A_171 = vector.broadcast %broadcast_in_dim3A_170 : i32 to vector<16xi32>
    %swap3A_172 = arith.constant 256 : index
    %swap3A_173 = tpu.vector_load %arg9[%swap3A_172] {strides = array<i32>} : memref<272xi32, #tpu.memory_space<vmem>>, vector<16xi32>,
    tpu.vector_store %arg9[%swap3A_172], %broadcast_in_dim3A_171 {strides = array<i32>} : memref<272xi32, #tpu.memory_space<vmem>>, vector<16xi32>,
    %scan3A = arith.constant 0 : i32
    %scan3A_174 = arith.constant 0 : i32
    %scan3A_175 = arith.constant 1024 : i32
    %scan3A_176 = arith.addi %scan3A_174, %scan3A_175 : i32
    %scan3A_177 = arith.constant 1 : i32
    %scan3A_178 = scf.for %scan3A_264 = %scan3A_174 to %scan3A_176 step %scan3A_177 iter_args(%scan3A_265 = %scan3A) -> (i32)  : i32 {
      %mul3A_266 = arith.constant 16 : i32
      %mul3A_267 = arith.muli %scan3A_264, %mul3A_266 : i32
      %get3A = arith.index_cast %mul3A_267 : i32 to index
      %get3A_268 = tpu.vector_load %arg5[%get3A] {strides = array<i32>} : memref<16384xi32, #tpu.memory_space<vmem>>, vector<16xi32>,
      %shift_right_arithmetic3A = arith.constant 7 : i32
      %shift_right_arithmetic3A_269 = vector.broadcast %shift_right_arithmetic3A : i32 to vector<16xi32>
      %shift_right_arithmetic3A_270 = arith.shrsi %get3A_268, %shift_right_arithmetic3A_269 : vector<16xi32>
      %and3A_271 = arith.constant 31 : i32
      %and3A_272 = vector.broadcast %and3A_271 : i32 to vector<16xi32>
      %and3A_273 = arith.andi %shift_right_arithmetic3A_270, %and3A_272 : vector<16xi32>
      %eq3A_274 = vector.broadcast %add3A : i32 to vector<16xi32>
      %eq3A_275 = arith.cmpi eq, %and3A_273, %eq3A_274 : vector<16xi32>
      %convert_element_type3A_276 = arith.extui %eq3A_275 : vector<16xi1> to vector<16xi32>
      %cumsum3A = arith.constant true
      %cumsum3A_277 = vector.broadcast %cumsum3A : i1 to vector<16xi1>
      %cumsum3A_278 = tpu.scan <sum>, %convert_element_type3A_276 masked %cumsum3A_277 : vector<16xi32>, vector<16xi1> -> vector<16xi32>
      %add3A_279 = vector.broadcast %scan3A_265 : i32 to vector<16xi32>
      %add3A_280 = arith.addi %add3A_279, %cumsum3A_278 : vector<16xi32>
      %sub3A = arith.constant 1 : i32
      %sub3A_281 = vector.broadcast %sub3A : i32 to vector<16xi32>
      %sub3A_282 = arith.subi %add3A_280, %sub3A_281 : vector<16xi32>
      %jit3A_283 = arith.constant 16384 : i32
      %broadcast_in_dim3A_284 = vector.broadcast %jit3A_283 : i32 to vector<16xi32>
      %select_n3A_285 = arith.select %eq3A_275, %sub3A_282, %broadcast_in_dim3A_284 : vector<16xi1>, vector<16xi32>
      tpu.vector_store_idx %arg6[%select_n3A_285], %get3A_268 : memref<16400xi32, #tpu.memory_space<vmem>>[vector<16xi32>], vector<16xi32>,
      %mul3A_286 = arith.constant 16 : i32
      %mul3A_287 = arith.muli %scan3A_264, %mul3A_286 : i32
      %add3A_288 = vector.broadcast %mul3A_287 : i32 to vector<16xi32>
      %add3A_289 = arith.addi %iota3A, %add3A_288 : vector<16xi32>
      tpu.vector_store_idx %arg7[%select_n3A_285], %add3A_289 : memref<16400xi32, #tpu.memory_space<vmem>>[vector<16xi32>], vector<16xi32>,
      %reduce_sum3A = arith.constant true
      %reduce_sum3A_290 = vector.broadcast %reduce_sum3A : i1 to vector<16xi1>
      %reduce_sum3A_291 = tpu.scan <sum>, %convert_element_type3A_276 masked %reduce_sum3A_290 : vector<16xi32>, vector<16xi1> -> vector<16xi32>
      %reduce_sum3A_292 = vector.extract %reduce_sum3A_291[15] : i32 from vector<16xi32>
      %add3A_293 = arith.addi %scan3A_265, %reduce_sum3A_292 : i32
      scf.yield %add3A_293 : i32
    }
    %scan3A_179 = arith.constant 1024 : i32
    %while3A = arith.constant 0 : i32
    %while3A_180 = arith.constant 0 : i32
    %while3A_181 = arith.subi %scan3A_178, %while3A : i32
    %while3A_182 = arith.addi %while3A, %while3A_181 : i32
    %while3A_183 = arith.constant 1 : i32
    %while3A_184 = arith.divsi %while3A_181, %while3A_183 : i32
    %while3A_185 = arith.muli %while3A_184, %while3A_183 : i32
    %while3A_186 = arith.addi %while3A, %while3A_185 : i32
    %while3A_187 = arith.constant 1 : i32
    %while3A_188 = scf.for %while3A_264 = %while3A to %while3A_186 step %while3A_187 iter_args(%while3A_265 = %while3A_180) -> (i32)  : i32 {
      %broadcast_in_dim3A_266 = arith.constant 0 : i32
      %broadcast_in_dim3A_267 = vector.broadcast %broadcast_in_dim3A_266 : i32 to vector<16xi32>
      %add3A_268 = vector.broadcast %while3A_264 : i32 to vector<16xi32>
      %add3A_269 = arith.addi %broadcast_in_dim3A_267, %add3A_268 : vector<16xi32>
      %gather3A_270 = tpu.vector_load_idx %arg6[%add3A_269] : memref<16400xi32, #tpu.memory_space<vmem>>[vector<16xi32>], vector<16xi32>,
      %reduce_max3A_271 = arith.constant true
      %reduce_max3A_272 = vector.broadcast %reduce_max3A_271 : i1 to vector<16xi1>
      %reduce_max3A_273 = arith.constant -2147483648 : i32
      %reduce_max3A_274 = vector.broadcast %reduce_max3A_273 : i32 to vector<16xi32>
      %reduce_max3A_275 = arith.xori %gather3A_270, %reduce_max3A_274 : vector<16xi32>
      %reduce_max3A_276 = tpu.scan <max>, %reduce_max3A_275 masked %reduce_max3A_272 : vector<16xi32>, vector<16xi1> -> vector<16xi32>
      %reduce_max3A_277 = arith.xori %reduce_max3A_276, %reduce_max3A_274 : vector<16xi32>
      %reduce_max3A_278 = vector.extract %reduce_max3A_277[15] : i32 from vector<16xi32>
      %shift_right_arithmetic3A = arith.constant 12 : i32
      %shift_right_arithmetic3A_279 = arith.shrsi %reduce_max3A_278, %shift_right_arithmetic3A : i32
      %broadcast_in_dim3A_280 = arith.constant 0 : i32
      %broadcast_in_dim3A_281 = vector.broadcast %broadcast_in_dim3A_280 : i32 to vector<16xi32>
      %add3A_282 = vector.broadcast %shift_right_arithmetic3A_279 : i32 to vector<16xi32>
      %add3A_283 = arith.addi %broadcast_in_dim3A_281, %add3A_282 : vector<16xi32>
      %gather3A_284 = tpu.vector_load_idx %arg9[%add3A_283] : memref<272xi32, #tpu.memory_space<vmem>>[vector<16xi32>], vector<16xi32>,
      %broadcast_in_dim3A_285 = arith.constant 0 : i32
      %broadcast_in_dim3A_286 = vector.broadcast %broadcast_in_dim3A_285 : i32 to vector<16xi32>
      %add3A_287 = vector.broadcast %shift_right_arithmetic3A_279 : i32 to vector<16xi32>
      %add3A_288 = arith.addi %broadcast_in_dim3A_286, %add3A_287 : vector<16xi32>
      %add3A_289 = arith.constant 1 : i32
      %add3A_290 = vector.broadcast %add3A_289 : i32 to vector<16xi32>
      %add3A_291 = arith.addi %gather3A_284, %add3A_290 : vector<16xi32>
      tpu.vector_store_idx %arg9[%add3A_288], %add3A_291 : memref<272xi32, #tpu.memory_space<vmem>>[vector<16xi32>], vector<16xi32>,
      %while3A_292 = arith.constant 0 : i32
      scf.yield %while3A_292 : i32
    }
    %while3A_189 = arith.constant 1 : i32
    %while3A_190 = scf.for %while3A_264 = %while3A_186 to %while3A_182 step %while3A_189 iter_args(%while3A_265 = %while3A_188) -> (i32)  : i32 {
      %broadcast_in_dim3A_266 = arith.constant 0 : i32
      %broadcast_in_dim3A_267 = vector.broadcast %broadcast_in_dim3A_266 : i32 to vector<16xi32>
      %add3A_268 = vector.broadcast %while3A_264 : i32 to vector<16xi32>
      %add3A_269 = arith.addi %broadcast_in_dim3A_267, %add3A_268 : vector<16xi32>
      %gather3A_270 = tpu.vector_load_idx %arg6[%add3A_269] : memref<16400xi32, #tpu.memory_space<vmem>>[vector<16xi32>], vector<16xi32>,
      %reduce_max3A_271 = arith.constant true
      %reduce_max3A_272 = vector.broadcast %reduce_max3A_271 : i1 to vector<16xi1>
      %reduce_max3A_273 = arith.constant -2147483648 : i32
      %reduce_max3A_274 = vector.broadcast %reduce_max3A_273 : i32 to vector<16xi32>
      %reduce_max3A_275 = arith.xori %gather3A_270, %reduce_max3A_274 : vector<16xi32>
      %reduce_max3A_276 = tpu.scan <max>, %reduce_max3A_275 masked %reduce_max3A_272 : vector<16xi32>, vector<16xi1> -> vector<16xi32>
      %reduce_max3A_277 = arith.xori %reduce_max3A_276, %reduce_max3A_274 : vector<16xi32>
      %reduce_max3A_278 = vector.extract %reduce_max3A_277[15] : i32 from vector<16xi32>
      %shift_right_arithmetic3A = arith.constant 12 : i32
      %shift_right_arithmetic3A_279 = arith.shrsi %reduce_max3A_278, %shift_right_arithmetic3A : i32
      %broadcast_in_dim3A_280 = arith.constant 0 : i32
      %broadcast_in_dim3A_281 = vector.broadcast %broadcast_in_dim3A_280 : i32 to vector<16xi32>
      %add3A_282 = vector.broadcast %shift_right_arithmetic3A_279 : i32 to vector<16xi32>
      %add3A_283 = arith.addi %broadcast_in_dim3A_281, %add3A_282 : vector<16xi32>
      %gather3A_284 = tpu.vector_load_idx %arg9[%add3A_283] : memref<272xi32, #tpu.memory_space<vmem>>[vector<16xi32>], vector<16xi32>,
      %broadcast_in_dim3A_285 = arith.constant 0 : i32
      %broadcast_in_dim3A_286 = vector.broadcast %broadcast_in_dim3A_285 : i32 to vector<16xi32>
      %add3A_287 = vector.broadcast %shift_right_arithmetic3A_279 : i32 to vector<16xi32>
      %add3A_288 = arith.addi %broadcast_in_dim3A_286, %add3A_287 : vector<16xi32>
      %add3A_289 = arith.constant 1 : i32
      %add3A_290 = vector.broadcast %add3A_289 : i32 to vector<16xi32>
      %add3A_291 = arith.addi %gather3A_284, %add3A_290 : vector<16xi32>
      tpu.vector_store_idx %arg9[%add3A_288], %add3A_291 : memref<272xi32, #tpu.memory_space<vmem>>[vector<16xi32>], vector<16xi32>,
      %while3A_292 = arith.constant 0 : i32
      scf.yield %while3A_292 : i32
    }
    %scan3A_191 = arith.constant 0 : i32
    %scan3A_192 = arith.constant 0 : i32
    %scan3A_193 = arith.constant 17 : i32
    %scan3A_194 = arith.addi %scan3A_192, %scan3A_193 : i32
    %scan3A_195 = arith.constant 1 : i32
    %scan3A_196 = scf.for %scan3A_264 = %scan3A_192 to %scan3A_194 step %scan3A_195 iter_args(%scan3A_265 = %scan3A_191) -> (i32)  : i32 {
      %mul3A_266 = arith.constant 16 : i32
      %mul3A_267 = arith.muli %scan3A_264, %mul3A_266 : i32
      %get3A = arith.index_cast %mul3A_267 : i32 to index
      %get3A_268 = tpu.vector_load %arg9[%get3A] {strides = array<i32>} : memref<272xi32, #tpu.memory_space<vmem>>, vector<16xi32>,
      %cumsum3A = arith.constant true
      %cumsum3A_269 = vector.broadcast %cumsum3A : i1 to vector<16xi1>
      %cumsum3A_270 = tpu.scan <sum>, %get3A_268 masked %cumsum3A_269 : vector<16xi32>, vector<16xi1> -> vector<16xi32>
      %sub3A = arith.subi %cumsum3A_270, %get3A_268 : vector<16xi32>
      %add3A_271 = vector.broadcast %scan3A_265 : i32 to vector<16xi32>
      %add3A_272 = arith.addi %sub3A, %add3A_271 : vector<16xi32>
      %mul3A_273 = arith.constant 16 : i32
      %mul3A_274 = arith.muli %scan3A_264, %mul3A_273 : i32
      %swap3A_275 = arith.index_cast %mul3A_274 : i32 to index
      %swap3A_276 = tpu.vector_load %arg10[%swap3A_275] {strides = array<i32>} : memref<272xi32, #tpu.memory_space<vmem>>, vector<16xi32>,
      tpu.vector_store %arg10[%swap3A_275], %add3A_272 {strides = array<i32>} : memref<272xi32, #tpu.memory_space<vmem>>, vector<16xi32>,
      %mul3A_277 = arith.constant 16 : i32
      %mul3A_278 = arith.muli %scan3A_264, %mul3A_277 : i32
      %swap3A_279 = arith.index_cast %mul3A_278 : i32 to index
      %swap3A_280 = tpu.vector_load %arg11[%swap3A_279] {strides = array<i32>} : memref<272xi32, #tpu.memory_space<vmem>>, vector<16xi32>,
      tpu.vector_store %arg11[%swap3A_279], %add3A_272 {strides = array<i32>} : memref<272xi32, #tpu.memory_space<vmem>>, vector<16xi32>,
      %reduce_max3A_281 = arith.constant true
      %reduce_max3A_282 = vector.broadcast %reduce_max3A_281 : i1 to vector<16xi1>
      %reduce_max3A_283 = arith.constant -2147483648 : i32
      %reduce_max3A_284 = vector.broadcast %reduce_max3A_283 : i32 to vector<16xi32>
      %reduce_max3A_285 = arith.xori %cumsum3A_270, %reduce_max3A_284 : vector<16xi32>
      %reduce_max3A_286 = tpu.scan <max>, %reduce_max3A_285 masked %reduce_max3A_282 : vector<16xi32>, vector<16xi1> -> vector<16xi32>
      %reduce_max3A_287 = arith.xori %reduce_max3A_286, %reduce_max3A_284 : vector<16xi32>
      %reduce_max3A_288 = vector.extract %reduce_max3A_287[15] : i32 from vector<16xi32>
      %add3A_289 = arith.addi %scan3A_265, %reduce_max3A_288 : i32
      scf.yield %add3A_289 : i32
    }
    %scan3A_197 = arith.constant 17 : i32
    %while3A_198 = arith.constant 0 : i32
    %while3A_199 = arith.constant 0 : i32
    %while3A_200 = arith.subi %scan3A_178, %while3A_198 : i32
    %while3A_201 = arith.addi %while3A_198, %while3A_200 : i32
    %while3A_202 = arith.constant 1 : i32
    %while3A_203 = arith.divsi %while3A_200, %while3A_202 : i32
    %while3A_204 = arith.muli %while3A_203, %while3A_202 : i32
    %while3A_205 = arith.addi %while3A_198, %while3A_204 : i32
    %while3A_206 = arith.constant 1 : i32
    %while3A_207 = scf.for %while3A_264 = %while3A_198 to %while3A_205 step %while3A_206 iter_args(%while3A_265 = %while3A_199) -> (i32)  : i32 {
      %broadcast_in_dim3A_266 = arith.constant 0 : i32
      %broadcast_in_dim3A_267 = vector.broadcast %broadcast_in_dim3A_266 : i32 to vector<16xi32>
      %add3A_268 = vector.broadcast %while3A_264 : i32 to vector<16xi32>
      %add3A_269 = arith.addi %broadcast_in_dim3A_267, %add3A_268 : vector<16xi32>
      %gather3A_270 = tpu.vector_load_idx %arg6[%add3A_269] : memref<16400xi32, #tpu.memory_space<vmem>>[vector<16xi32>], vector<16xi32>,
      %broadcast_in_dim3A_271 = arith.constant 0 : i32
      %broadcast_in_dim3A_272 = vector.broadcast %broadcast_in_dim3A_271 : i32 to vector<16xi32>
      %add3A_273 = vector.broadcast %while3A_264 : i32 to vector<16xi32>
      %add3A_274 = arith.addi %broadcast_in_dim3A_272, %add3A_273 : vector<16xi32>
      %gather3A_275 = tpu.vector_load_idx %arg7[%add3A_274] : memref<16400xi32, #tpu.memory_space<vmem>>[vector<16xi32>], vector<16xi32>,
      %reduce_max3A_276 = arith.constant true
      %reduce_max3A_277 = vector.broadcast %reduce_max3A_276 : i1 to vector<16xi1>
      %reduce_max3A_278 = arith.constant -2147483648 : i32
      %reduce_max3A_279 = vector.broadcast %reduce_max3A_278 : i32 to vector<16xi32>
      %reduce_max3A_280 = arith.xori %gather3A_270, %reduce_max3A_279 : vector<16xi32>
      %reduce_max3A_281 = tpu.scan <max>, %reduce_max3A_280 masked %reduce_max3A_277 : vector<16xi32>, vector<16xi1> -> vector<16xi32>
      %reduce_max3A_282 = arith.xori %reduce_max3A_281, %reduce_max3A_279 : vector<16xi32>
      %reduce_max3A_283 = vector.extract %reduce_max3A_282[15] : i32 from vector<16xi32>
      %shift_right_arithmetic3A = arith.constant 12 : i32
      %shift_right_arithmetic3A_284 = arith.shrsi %reduce_max3A_283, %shift_right_arithmetic3A : i32
      %broadcast_in_dim3A_285 = arith.constant 0 : i32
      %broadcast_in_dim3A_286 = vector.broadcast %broadcast_in_dim3A_285 : i32 to vector<16xi32>
      %add3A_287 = vector.broadcast %shift_right_arithmetic3A_284 : i32 to vector<16xi32>
      %add3A_288 = arith.addi %broadcast_in_dim3A_286, %add3A_287 : vector<16xi32>
      %gather3A_289 = tpu.vector_load_idx %arg11[%add3A_288] : memref<272xi32, #tpu.memory_space<vmem>>[vector<16xi32>], vector<16xi32>,
      %reduce_max3A_290 = arith.constant true
      %reduce_max3A_291 = vector.broadcast %reduce_max3A_290 : i1 to vector<16xi1>
      %reduce_max3A_292 = arith.constant -2147483648 : i32
      %reduce_max3A_293 = vector.broadcast %reduce_max3A_292 : i32 to vector<16xi32>
      %reduce_max3A_294 = arith.xori %gather3A_289, %reduce_max3A_293 : vector<16xi32>
      %reduce_max3A_295 = tpu.scan <max>, %reduce_max3A_294 masked %reduce_max3A_291 : vector<16xi32>, vector<16xi1> -> vector<16xi32>
      %reduce_max3A_296 = arith.xori %reduce_max3A_295, %reduce_max3A_293 : vector<16xi32>
      %reduce_max3A_297 = vector.extract %reduce_max3A_296[15] : i32 from vector<16xi32>
      %broadcast_in_dim3A_298 = arith.constant 0 : i32
      %broadcast_in_dim3A_299 = vector.broadcast %broadcast_in_dim3A_298 : i32 to vector<16xi32>
      %add3A_300 = vector.broadcast %shift_right_arithmetic3A_284 : i32 to vector<16xi32>
      %add3A_301 = arith.addi %broadcast_in_dim3A_299, %add3A_300 : vector<16xi32>
      %add3A_302 = arith.constant 1 : i32
      %add3A_303 = arith.addi %reduce_max3A_297, %add3A_302 : i32
      %broadcast_in_dim3A_304 = arith.constant 0 : i32
      %broadcast_in_dim3A_305 = vector.broadcast %broadcast_in_dim3A_304 : i32 to vector<16xi32>
      %add3A_306 = vector.broadcast %add3A_303 : i32 to vector<16xi32>
      %add3A_307 = arith.addi %broadcast_in_dim3A_305, %add3A_306 : vector<16xi32>
      tpu.vector_store_idx %arg11[%add3A_301], %add3A_307 : memref<272xi32, #tpu.memory_space<vmem>>[vector<16xi32>], vector<16xi32>,
      %broadcast_in_dim3A_308 = arith.constant 0 : i32
      %broadcast_in_dim3A_309 = vector.broadcast %broadcast_in_dim3A_308 : i32 to vector<16xi32>
      %add3A_310 = vector.broadcast %reduce_max3A_297 : i32 to vector<16xi32>
      %add3A_311 = arith.addi %broadcast_in_dim3A_309, %add3A_310 : vector<16xi32>
      %shift_left3A = arith.constant 7 : i32
      %shift_left3A_312 = vector.broadcast %shift_left3A : i32 to vector<16xi32>
      %shift_left3A_313 = arith.shli %gather3A_275, %shift_left3A_312 : vector<16xi32>
      %and3A_314 = arith.constant 127 : i32
      %and3A_315 = vector.broadcast %and3A_314 : i32 to vector<16xi32>
      %and3A_316 = arith.andi %gather3A_270, %and3A_315 : vector<16xi32>
      %or3A = arith.ori %shift_left3A_313, %and3A_316 : vector<16xi32>
      tpu.vector_store_idx %arg8[%add3A_311], %or3A : memref<16400xi32, #tpu.memory_space<vmem>>[vector<16xi32>], vector<16xi32>,
      %while3A_317 = arith.constant 0 : i32
      scf.yield %while3A_317 : i32
    }
    %while3A_208 = arith.constant 1 : i32
    %while3A_209 = scf.for %while3A_264 = %while3A_205 to %while3A_201 step %while3A_208 iter_args(%while3A_265 = %while3A_207) -> (i32)  : i32 {
      %broadcast_in_dim3A_266 = arith.constant 0 : i32
      %broadcast_in_dim3A_267 = vector.broadcast %broadcast_in_dim3A_266 : i32 to vector<16xi32>
      %add3A_268 = vector.broadcast %while3A_264 : i32 to vector<16xi32>
      %add3A_269 = arith.addi %broadcast_in_dim3A_267, %add3A_268 : vector<16xi32>
      %gather3A_270 = tpu.vector_load_idx %arg6[%add3A_269] : memref<16400xi32, #tpu.memory_space<vmem>>[vector<16xi32>], vector<16xi32>,
      %broadcast_in_dim3A_271 = arith.constant 0 : i32
      %broadcast_in_dim3A_272 = vector.broadcast %broadcast_in_dim3A_271 : i32 to vector<16xi32>
      %add3A_273 = vector.broadcast %while3A_264 : i32 to vector<16xi32>
      %add3A_274 = arith.addi %broadcast_in_dim3A_272, %add3A_273 : vector<16xi32>
      %gather3A_275 = tpu.vector_load_idx %arg7[%add3A_274] : memref<16400xi32, #tpu.memory_space<vmem>>[vector<16xi32>], vector<16xi32>,
      %reduce_max3A_276 = arith.constant true
      %reduce_max3A_277 = vector.broadcast %reduce_max3A_276 : i1 to vector<16xi1>
      %reduce_max3A_278 = arith.constant -2147483648 : i32
      %reduce_max3A_279 = vector.broadcast %reduce_max3A_278 : i32 to vector<16xi32>
      %reduce_max3A_280 = arith.xori %gather3A_270, %reduce_max3A_279 : vector<16xi32>
      %reduce_max3A_281 = tpu.scan <max>, %reduce_max3A_280 masked %reduce_max3A_277 : vector<16xi32>, vector<16xi1> -> vector<16xi32>
      %reduce_max3A_282 = arith.xori %reduce_max3A_281, %reduce_max3A_279 : vector<16xi32>
      %reduce_max3A_283 = vector.extract %reduce_max3A_282[15] : i32 from vector<16xi32>
      %shift_right_arithmetic3A = arith.constant 12 : i32
      %shift_right_arithmetic3A_284 = arith.shrsi %reduce_max3A_283, %shift_right_arithmetic3A : i32
      %broadcast_in_dim3A_285 = arith.constant 0 : i32
      %broadcast_in_dim3A_286 = vector.broadcast %broadcast_in_dim3A_285 : i32 to vector<16xi32>
      %add3A_287 = vector.broadcast %shift_right_arithmetic3A_284 : i32 to vector<16xi32>
      %add3A_288 = arith.addi %broadcast_in_dim3A_286, %add3A_287 : vector<16xi32>
      %gather3A_289 = tpu.vector_load_idx %arg11[%add3A_288] : memref<272xi32, #tpu.memory_space<vmem>>[vector<16xi32>], vector<16xi32>,
      %reduce_max3A_290 = arith.constant true
      %reduce_max3A_291 = vector.broadcast %reduce_max3A_290 : i1 to vector<16xi1>
      %reduce_max3A_292 = arith.constant -2147483648 : i32
      %reduce_max3A_293 = vector.broadcast %reduce_max3A_292 : i32 to vector<16xi32>
      %reduce_max3A_294 = arith.xori %gather3A_289, %reduce_max3A_293 : vector<16xi32>
      %reduce_max3A_295 = tpu.scan <max>, %reduce_max3A_294 masked %reduce_max3A_291 : vector<16xi32>, vector<16xi1> -> vector<16xi32>
      %reduce_max3A_296 = arith.xori %reduce_max3A_295, %reduce_max3A_293 : vector<16xi32>
      %reduce_max3A_297 = vector.extract %reduce_max3A_296[15] : i32 from vector<16xi32>
      %broadcast_in_dim3A_298 = arith.constant 0 : i32
      %broadcast_in_dim3A_299 = vector.broadcast %broadcast_in_dim3A_298 : i32 to vector<16xi32>
      %add3A_300 = vector.broadcast %shift_right_arithmetic3A_284 : i32 to vector<16xi32>
      %add3A_301 = arith.addi %broadcast_in_dim3A_299, %add3A_300 : vector<16xi32>
      %add3A_302 = arith.constant 1 : i32
      %add3A_303 = arith.addi %reduce_max3A_297, %add3A_302 : i32
      %broadcast_in_dim3A_304 = arith.constant 0 : i32
      %broadcast_in_dim3A_305 = vector.broadcast %broadcast_in_dim3A_304 : i32 to vector<16xi32>
      %add3A_306 = vector.broadcast %add3A_303 : i32 to vector<16xi32>
      %add3A_307 = arith.addi %broadcast_in_dim3A_305, %add3A_306 : vector<16xi32>
      tpu.vector_store_idx %arg11[%add3A_301], %add3A_307 : memref<272xi32, #tpu.memory_space<vmem>>[vector<16xi32>], vector<16xi32>,
      %broadcast_in_dim3A_308 = arith.constant 0 : i32
      %broadcast_in_dim3A_309 = vector.broadcast %broadcast_in_dim3A_308 : i32 to vector<16xi32>
      %add3A_310 = vector.broadcast %reduce_max3A_297 : i32 to vector<16xi32>
      %add3A_311 = arith.addi %broadcast_in_dim3A_309, %add3A_310 : vector<16xi32>
      %shift_left3A = arith.constant 7 : i32
      %shift_left3A_312 = vector.broadcast %shift_left3A : i32 to vector<16xi32>
      %shift_left3A_313 = arith.shli %gather3A_275, %shift_left3A_312 : vector<16xi32>
      %and3A_314 = arith.constant 127 : i32
      %and3A_315 = vector.broadcast %and3A_314 : i32 to vector<16xi32>
      %and3A_316 = arith.andi %gather3A_270, %and3A_315 : vector<16xi32>
      %or3A = arith.ori %shift_left3A_313, %and3A_316 : vector<16xi32>
      tpu.vector_store_idx %arg8[%add3A_311], %or3A : memref<16400xi32, #tpu.memory_space<vmem>>[vector<16xi32>], vector<16xi32>,
      %while3A_317 = arith.constant 0 : i32
      scf.yield %while3A_317 : i32
    }
    %while3A_210 = arith.constant 0 : i32
    %while3A_211 = arith.constant 0 : i32
    %while3A_212 = arith.subi %add3A_3, %while3A_210 : i32
    %while3A_213 = arith.addi %while3A_210, %while3A_212 : i32
    %while3A_214 = arith.constant 1 : i32
    %while3A_215 = arith.divsi %while3A_212, %while3A_214 : i32
    %while3A_216 = arith.muli %while3A_215, %while3A_214 : i32
    %while3A_217 = arith.addi %while3A_210, %while3A_216 : i32
    %while3A_218 = arith.constant 1 : i32
    %while3A_219 = scf.for %while3A_264 = %while3A_210 to %while3A_217 step %while3A_218 iter_args(%while3A_265 = %while3A_211) -> (i32)  : i32 {
      %add3A_266 = arith.constant 5 : i32
      %add3A_267 = arith.addi %while3A_264, %add3A_266 : i32
      %lt3A_268 = arith.cmpi slt, %add3A_267, %add3A_3 : i32
      %convert_element_type3A_269 = arith.extui %lt3A_268 : i1 to i32
      %cond3A_270 = arith.constant 0 : i32
      %cond3A_271 = arith.cmpi ne, %convert_element_type3A_269, %cond3A_270 : i32
      scf.if %cond3A_271 {
        %add3A_317 = arith.constant 5 : i32
        %add3A_318 = arith.addi %while3A_264, %add3A_317 : i32
        %broadcast_in_dim3A_319 = arith.constant 0 : i32
        %broadcast_in_dim3A_320 = vector.broadcast %broadcast_in_dim3A_319 : i32 to vector<16xi32>
        %add3A_321 = vector.broadcast %add3A_318 : i32 to vector<16xi32>
        %add3A_322 = arith.addi %broadcast_in_dim3A_320, %add3A_321 : vector<16xi32>
        %gather3A_323 = tpu.vector_load_idx %arg10[%add3A_322] : memref<272xi32, #tpu.memory_space<vmem>>[vector<16xi32>], vector<16xi32>,
        %reduce_max3A_324 = arith.constant true
        %reduce_max3A_325 = vector.broadcast %reduce_max3A_324 : i1 to vector<16xi1>
        %reduce_max3A_326 = arith.constant -2147483648 : i32
        %reduce_max3A_327 = vector.broadcast %reduce_max3A_326 : i32 to vector<16xi32>
        %reduce_max3A_328 = arith.xori %gather3A_323, %reduce_max3A_327 : vector<16xi32>
        %reduce_max3A_329 = tpu.scan <max>, %reduce_max3A_328 masked %reduce_max3A_325 : vector<16xi32>, vector<16xi1> -> vector<16xi32>
        %reduce_max3A_330 = arith.xori %reduce_max3A_329, %reduce_max3A_327 : vector<16xi32>
        %reduce_max3A_331 = vector.extract %reduce_max3A_330[15] : i32 from vector<16xi32>
        %add3A_332 = arith.constant 1 : i32
        %add3A_333 = arith.addi %add3A_318, %add3A_332 : i32
        %broadcast_in_dim3A_334 = arith.constant 0 : i32
        %broadcast_in_dim3A_335 = vector.broadcast %broadcast_in_dim3A_334 : i32 to vector<16xi32>
        %add3A_336 = vector.broadcast %add3A_333 : i32 to vector<16xi32>
        %add3A_337 = arith.addi %broadcast_in_dim3A_335, %add3A_336 : vector<16xi32>
        %gather3A_338 = tpu.vector_load_idx %arg10[%add3A_337] : memref<272xi32, #tpu.memory_space<vmem>>[vector<16xi32>], vector<16xi32>,
        %reduce_max3A_339 = arith.constant true
        %reduce_max3A_340 = vector.broadcast %reduce_max3A_339 : i1 to vector<16xi1>
        %reduce_max3A_341 = arith.constant -2147483648 : i32
        %reduce_max3A_342 = vector.broadcast %reduce_max3A_341 : i32 to vector<16xi32>
        %reduce_max3A_343 = arith.xori %gather3A_338, %reduce_max3A_342 : vector<16xi32>
        %reduce_max3A_344 = tpu.scan <max>, %reduce_max3A_343 masked %reduce_max3A_340 : vector<16xi32>, vector<16xi1> -> vector<16xi32>
        %reduce_max3A_345 = arith.xori %reduce_max3A_344, %reduce_max3A_342 : vector<16xi32>
        %reduce_max3A_346 = vector.extract %reduce_max3A_345[15] : i32 from vector<16xi32>
        %gt3A_347 = arith.cmpi sgt, %reduce_max3A_346, %reduce_max3A_331 : i32
        %convert_element_type3A_348 = arith.extui %gt3A_347 : i1 to i32
        %cond3A_349 = arith.constant 0 : i32
        %cond3A_350 = arith.cmpi ne, %convert_element_type3A_348, %cond3A_349 : i32
        scf.if %cond3A_350 {
          %add3A_351 = arith.constant 5 : i32
          %add3A_352 = arith.addi %while3A_264, %add3A_351 : i32
          %mul3A_353 = arith.constant 32 : i32
          %mul3A_354 = arith.muli %add3A_352, %mul3A_353 : i32
          %add3A_355 = arith.addi %mul3A_354, %add3A : i32
          %mul3A_356 = arith.constant 128 : i32
          %mul3A_357 = arith.muli %add3A_355, %mul3A_356 : i32
          %multiple_of3A_358 = tpu.assume_multiple %mul3A_357, 128 : i32
          %rem3A_359 = arith.constant 6 : i32
          %rem3A_360 = arith.remsi %add3A_352, %rem3A_359 : i32
          %dma_start3A_361 = arith.constant 0 : i32
          %dma_start3A_362 = arith.constant 0 : i32
          %dma_start3A_363 = tpu.memref_slice %arg12[%rem3A_360, %dma_start3A_361, %dma_start3A_362] : memref<6x64x128xf32, #tpu.memory_space<vmem>> -> memref<1x64x128xf32, #tpu.memory_space<vmem>>
          %dma_start3A_364 = tpu.memref_squeeze %dma_start3A_363 : memref<1x64x128xf32, #tpu.memory_space<vmem>> -> memref<64x128xf32, #tpu.memory_space<vmem>>
          %dma_start3A_365 = arith.constant 0 : i32
          %dma_start3A_366 = tpu.memref_slice %arg3[%dma_start3A_365, %multiple_of3A_358] : memref<64x1000000xf32, #tpu.memory_space<hbm>> -> memref<64x128xf32, #tpu.memory_space<hbm>>
          %dma_start3A_367 = arith.constant 0 : i32
          %dma_start3A_368 = arith.constant 0 : i32
          %dma_start3A_369 = tpu.memref_slice %arg12[%rem3A_360, %dma_start3A_367, %dma_start3A_368] : memref<6x64x128xf32, #tpu.memory_space<vmem>> -> memref<1x64x128xf32, #tpu.memory_space<vmem>>
          %dma_start3A_370 = tpu.memref_squeeze %dma_start3A_369 : memref<1x64x128xf32, #tpu.memory_space<vmem>> -> memref<64x128xf32, #tpu.memory_space<vmem>>
          %dma_start3A_371 = arith.constant 0 : i32
          %dma_start3A_372 = tpu.memref_slice %arg3[%dma_start3A_371, %multiple_of3A_358] : memref<64x1000000xf32, #tpu.memory_space<hbm>> -> memref<64x128xf32, #tpu.memory_space<hbm>>
          tpu.enqueue_dma source(%dma_start3A_372 : memref<64x128xf32, #tpu.memory_space<hbm>>) target(%dma_start3A_370 : memref<64x128xf32, #tpu.memory_space<vmem>>) target_semaphore(%arg16 : memref<!tpu.dma_semaphore, #tpu.memory_space<semaphore_mem>>)
        } else {
        }
      } else {
      }
      %broadcast_in_dim3A_272 = arith.constant 0 : i32
      %broadcast_in_dim3A_273 = vector.broadcast %broadcast_in_dim3A_272 : i32 to vector<16xi32>
      %add3A_274 = vector.broadcast %while3A_264 : i32 to vector<16xi32>
      %add3A_275 = arith.addi %broadcast_in_dim3A_273, %add3A_274 : vector<16xi32>
      %gather3A_276 = tpu.vector_load_idx %arg10[%add3A_275] : memref<272xi32, #tpu.memory_space<vmem>>[vector<16xi32>], vector<16xi32>,
      %reduce_max3A_277 = arith.constant true
      %reduce_max3A_278 = vector.broadcast %reduce_max3A_277 : i1 to vector<16xi1>
      %reduce_max3A_279 = arith.constant -2147483648 : i32
      %reduce_max3A_280 = vector.broadcast %reduce_max3A_279 : i32 to vector<16xi32>
      %reduce_max3A_281 = arith.xori %gather3A_276, %reduce_max3A_280 : vector<16xi32>
      %reduce_max3A_282 = tpu.scan <max>, %reduce_max3A_281 masked %reduce_max3A_278 : vector<16xi32>, vector<16xi1> -> vector<16xi32>
      %reduce_max3A_283 = arith.xori %reduce_max3A_282, %reduce_max3A_280 : vector<16xi32>
      %reduce_max3A_284 = vector.extract %reduce_max3A_283[15] : i32 from vector<16xi32>
      %add3A_285 = arith.constant 1 : i32
      %add3A_286 = arith.addi %while3A_264, %add3A_285 : i32
      %broadcast_in_dim3A_287 = arith.constant 0 : i32
      %broadcast_in_dim3A_288 = vector.broadcast %broadcast_in_dim3A_287 : i32 to vector<16xi32>
      %add3A_289 = vector.broadcast %add3A_286 : i32 to vector<16xi32>
      %add3A_290 = arith.addi %broadcast_in_dim3A_288, %add3A_289 : vector<16xi32>
      %gather3A_291 = tpu.vector_load_idx %arg10[%add3A_290] : memref<272xi32, #tpu.memory_space<vmem>>[vector<16xi32>], vector<16xi32>,
      %reduce_max3A_292 = arith.constant true
      %reduce_max3A_293 = vector.broadcast %reduce_max3A_292 : i1 to vector<16xi1>
      %reduce_max3A_294 = arith.constant -2147483648 : i32
      %reduce_max3A_295 = vector.broadcast %reduce_max3A_294 : i32 to vector<16xi32>
      %reduce_max3A_296 = arith.xori %gather3A_291, %reduce_max3A_295 : vector<16xi32>
      %reduce_max3A_297 = tpu.scan <max>, %reduce_max3A_296 masked %reduce_max3A_293 : vector<16xi32>, vector<16xi1> -> vector<16xi32>
      %reduce_max3A_298 = arith.xori %reduce_max3A_297, %reduce_max3A_295 : vector<16xi32>
      %reduce_max3A_299 = vector.extract %reduce_max3A_298[15] : i32 from vector<16xi32>
      %lt3A_300 = arith.constant 5 : i32
      %lt3A_301 = arith.cmpi slt, %while3A_264, %lt3A_300 : i32
      %gt3A = arith.cmpi sgt, %reduce_max3A_299, %reduce_max3A_284 : i32
      %or3A = arith.ori %lt3A_301, %gt3A : i1
      %convert_element_type3A_302 = arith.extui %or3A : i1 to i32
      %cond3A_303 = arith.constant 0 : i32
      %cond3A_304 = arith.cmpi ne, %convert_element_type3A_302, %cond3A_303 : i32
      scf.if %cond3A_304 {
        %dma_wait3A = arith.constant 0 : i32
        %dma_wait3A_317 = arith.constant 0 : i32
        %dma_wait3A_318 = arith.constant 0 : i32
        %dma_wait3A_319 = tpu.memref_slice %arg12[%dma_wait3A, %dma_wait3A_317, %dma_wait3A_318] : memref<6x64x128xf32, #tpu.memory_space<vmem>> -> memref<1x64x128xf32, #tpu.memory_space<vmem>>
        %dma_wait3A_320 = tpu.memref_squeeze %dma_wait3A_319 : memref<1x64x128xf32, #tpu.memory_space<vmem>> -> memref<64x128xf32, #tpu.memory_space<vmem>>
        %dma_wait3A_321 = arith.constant 0 : i32
        %dma_wait3A_322 = arith.constant 0 : i32
        %dma_wait3A_323 = tpu.memref_slice %arg3[%dma_wait3A_321, %dma_wait3A_322] : memref<64x1000000xf32, #tpu.memory_space<hbm>> -> memref<64x128xf32, #tpu.memory_space<hbm>>
        %dma_wait3A_324 = arith.constant 0 : i32
        %dma_wait3A_325 = arith.constant 0 : i32
        %dma_wait3A_326 = tpu.memref_slice %arg12[%dma_wait3A, %dma_wait3A_324, %dma_wait3A_325] : memref<6x64x128xf32, #tpu.memory_space<vmem>> -> memref<1x64x128xf32, #tpu.memory_space<vmem>>
        %dma_wait3A_327 = tpu.memref_squeeze %dma_wait3A_326 : memref<1x64x128xf32, #tpu.memory_space<vmem>> -> memref<64x128xf32, #tpu.memory_space<vmem>>
        %dma_wait3A_328 = arith.constant 0 : i32
        %dma_wait3A_329 = arith.constant 0 : i32
        %dma_wait3A_330 = tpu.memref_slice %arg3[%dma_wait3A_328, %dma_wait3A_329] : memref<64x1000000xf32, #tpu.memory_space<hbm>> -> memref<64x128xf32, #tpu.memory_space<hbm>>
        tpu.wait_dma2 semaphore(%arg16 : memref<!tpu.dma_semaphore, #tpu.memory_space<semaphore_mem>>) src(%dma_wait3A_330 : memref<64x128xf32, #tpu.memory_space<hbm>>) dst(%dma_wait3A_327 : memref<64x128xf32, #tpu.memory_space<vmem>>)
      } else {
      }
      %rem3A_305 = arith.constant 6 : i32
      %rem3A_306 = arith.remsi %while3A_264, %rem3A_305 : i32
      %while3A_307 = arith.subi %reduce_max3A_299, %reduce_max3A_284 : i32
      %while3A_308 = arith.addi %reduce_max3A_284, %while3A_307 : i32
      %while3A_309 = arith.constant 1 : i32
      %while3A_310 = arith.divsi %while3A_307, %while3A_309 : i32
      %while3A_311 = arith.muli %while3A_310, %while3A_309 : i32
      %while3A_312 = arith.addi %reduce_max3A_284, %while3A_311 : i32
      %while3A_313 = arith.constant 1 : i32
      %while3A_314 = scf.for %while3A_317 = %reduce_max3A_284 to %while3A_312 step %while3A_313 iter_args(%while3A_318 = %while3A_265) -> (i32)  : i32 {
        %broadcast_in_dim3A_319 = arith.constant 0 : i32
        %broadcast_in_dim3A_320 = vector.broadcast %broadcast_in_dim3A_319 : i32 to vector<16xi32>
        %add3A_321 = vector.broadcast %while3A_317 : i32 to vector<16xi32>
        %add3A_322 = arith.addi %broadcast_in_dim3A_320, %add3A_321 : vector<16xi32>
        %gather3A_323 = tpu.vector_load_idx %arg8[%add3A_322] : memref<16400xi32, #tpu.memory_space<vmem>>[vector<16xi32>], vector<16xi32>,
        %shift_right_arithmetic3A = arith.constant 7 : i32
        %shift_right_arithmetic3A_324 = vector.broadcast %shift_right_arithmetic3A : i32 to vector<16xi32>
        %shift_right_arithmetic3A_325 = arith.shrsi %gather3A_323, %shift_right_arithmetic3A_324 : vector<16xi32>
        %and3A_326 = arith.constant 127 : i32
        %and3A_327 = vector.broadcast %and3A_326 : i32 to vector<16xi32>
        %and3A_328 = arith.andi %gather3A_323, %and3A_327 : vector<16xi32>
        %and3A_329 = arith.constant 31 : i32
        %and3A_330 = arith.andi %while3A_318, %and3A_329 : i32
        %add3A_331 = arith.constant 0 : i32
        %add3A_332 = vector.broadcast %add3A_331 : i32 to vector<16xi32>
        %add3A_333 = arith.addi %iota3A, %add3A_332 : vector<16xi32>
        %gather3A_334 = arith.constant 0 : i32
        %gather3A_335 = arith.constant 0 : i32
        %gather3A_336 = tpu.memref_slice %arg12[%rem3A_306, %gather3A_334, %gather3A_335] : memref<6x64x128xf32, #tpu.memory_space<vmem>> -> memref<1x64x128xf32, #tpu.memory_space<vmem>>
        %gather3A_337 = tpu.memref_squeeze %gather3A_336 : memref<1x64x128xf32, #tpu.memory_space<vmem>> -> memref<64x128xf32, #tpu.memory_space<vmem>>
        %gather3A_338 = tpu.vector_load_idx %gather3A_337[%add3A_333, %and3A_328] : memref<64x128xf32, #tpu.memory_space<vmem>>[vector<16xi32>, vector<16xi32>], vector<16xf32>,
        %broadcast_in_dim3A_339 = arith.constant 0 : i32
        %broadcast_in_dim3A_340 = vector.broadcast %broadcast_in_dim3A_339 : i32 to vector<16xi32>
        %add3A_341 = vector.broadcast %and3A_330 : i32 to vector<16xi32>
        %add3A_342 = arith.addi %broadcast_in_dim3A_340, %add3A_341 : vector<16xi32>
        tpu.vector_store_idx %arg14[%add3A_342, %add3A_333], %gather3A_338 : memref<32x128xf32, #tpu.memory_space<vmem>>[vector<16xi32>, vector<16xi32>], vector<16xf32>,
        %add3A_343 = arith.constant 16 : i32
        %add3A_344 = vector.broadcast %add3A_343 : i32 to vector<16xi32>
        %add3A_345 = arith.addi %iota3A, %add3A_344 : vector<16xi32>
        %gather3A_346 = arith.constant 0 : i32
        %gather3A_347 = arith.constant 0 : i32
        %gather3A_348 = tpu.memref_slice %arg12[%rem3A_306, %gather3A_346, %gather3A_347] : memref<6x64x128xf32, #tpu.memory_space<vmem>> -> memref<1x64x128xf32, #tpu.memory_space<vmem>>
        %gather3A_349 = tpu.memref_squeeze %gather3A_348 : memref<1x64x128xf32, #tpu.memory_space<vmem>> -> memref<64x128xf32, #tpu.memory_space<vmem>>
        %gather3A_350 = tpu.vector_load_idx %gather3A_349[%add3A_345, %and3A_328] : memref<64x128xf32, #tpu.memory_space<vmem>>[vector<16xi32>, vector<16xi32>], vector<16xf32>,
        %broadcast_in_dim3A_351 = arith.constant 0 : i32
        %broadcast_in_dim3A_352 = vector.broadcast %broadcast_in_dim3A_351 : i32 to vector<16xi32>
        %add3A_353 = vector.broadcast %and3A_330 : i32 to vector<16xi32>
        %add3A_354 = arith.addi %broadcast_in_dim3A_352, %add3A_353 : vector<16xi32>
        tpu.vector_store_idx %arg14[%add3A_354, %add3A_345], %gather3A_350 : memref<32x128xf32, #tpu.memory_space<vmem>>[vector<16xi32>, vector<16xi32>], vector<16xf32>,
        %add3A_355 = arith.constant 32 : i32
        %add3A_356 = vector.broadcast %add3A_355 : i32 to vector<16xi32>
        %add3A_357 = arith.addi %iota3A, %add3A_356 : vector<16xi32>
        %gather3A_358 = arith.constant 0 : i32
        %gather3A_359 = arith.constant 0 : i32
        %gather3A_360 = tpu.memref_slice %arg12[%rem3A_306, %gather3A_358, %gather3A_359] : memref<6x64x128xf32, #tpu.memory_space<vmem>> -> memref<1x64x128xf32, #tpu.memory_space<vmem>>
        %gather3A_361 = tpu.memref_squeeze %gather3A_360 : memref<1x64x128xf32, #tpu.memory_space<vmem>> -> memref<64x128xf32, #tpu.memory_space<vmem>>
        %gather3A_362 = tpu.vector_load_idx %gather3A_361[%add3A_357, %and3A_328] : memref<64x128xf32, #tpu.memory_space<vmem>>[vector<16xi32>, vector<16xi32>], vector<16xf32>,
        %broadcast_in_dim3A_363 = arith.constant 0 : i32
        %broadcast_in_dim3A_364 = vector.broadcast %broadcast_in_dim3A_363 : i32 to vector<16xi32>
        %add3A_365 = vector.broadcast %and3A_330 : i32 to vector<16xi32>
        %add3A_366 = arith.addi %broadcast_in_dim3A_364, %add3A_365 : vector<16xi32>
        tpu.vector_store_idx %arg14[%add3A_366, %add3A_357], %gather3A_362 : memref<32x128xf32, #tpu.memory_space<vmem>>[vector<16xi32>, vector<16xi32>], vector<16xf32>,
        %add3A_367 = arith.constant 48 : i32
        %add3A_368 = vector.broadcast %add3A_367 : i32 to vector<16xi32>
        %add3A_369 = arith.addi %iota3A, %add3A_368 : vector<16xi32>
        %gather3A_370 = arith.constant 0 : i32
        %gather3A_371 = arith.constant 0 : i32
        %gather3A_372 = tpu.memref_slice %arg12[%rem3A_306, %gather3A_370, %gather3A_371] : memref<6x64x128xf32, #tpu.memory_space<vmem>> -> memref<1x64x128xf32, #tpu.memory_space<vmem>>
        %gather3A_373 = tpu.memref_squeeze %gather3A_372 : memref<1x64x128xf32, #tpu.memory_space<vmem>> -> memref<64x128xf32, #tpu.memory_space<vmem>>
        %gather3A_374 = tpu.vector_load_idx %gather3A_373[%add3A_369, %and3A_328] : memref<64x128xf32, #tpu.memory_space<vmem>>[vector<16xi32>, vector<16xi32>], vector<16xf32>,
        %broadcast_in_dim3A_375 = arith.constant 0 : i32
        %broadcast_in_dim3A_376 = vector.broadcast %broadcast_in_dim3A_375 : i32 to vector<16xi32>
        %add3A_377 = vector.broadcast %and3A_330 : i32 to vector<16xi32>
        %add3A_378 = arith.addi %broadcast_in_dim3A_376, %add3A_377 : vector<16xi32>
        tpu.vector_store_idx %arg14[%add3A_378, %add3A_369], %gather3A_374 : memref<32x128xf32, #tpu.memory_space<vmem>>[vector<16xi32>, vector<16xi32>], vector<16xf32>,
        %broadcast_in_dim3A_379 = arith.constant 0 : i32
        %broadcast_in_dim3A_380 = vector.broadcast %broadcast_in_dim3A_379 : i32 to vector<16xi32>
        %add3A_381 = vector.broadcast %and3A_330 : i32 to vector<16xi32>
        %add3A_382 = arith.addi %broadcast_in_dim3A_380, %add3A_381 : vector<16xi32>
        tpu.vector_store_idx %arg15[%add3A_382], %shift_right_arithmetic3A_325 : memref<32xi32, #tpu.memory_space<vmem>>[vector<16xi32>], vector<16xi32>,
        %eq3A_383 = arith.constant 31 : i32
        %eq3A_384 = arith.cmpi eq, %and3A_330, %eq3A_383 : i32
        %convert_element_type3A_385 = arith.extui %eq3A_384 : i1 to i32
        %cond3A_386 = arith.constant 0 : i32
        %cond3A_387 = arith.cmpi ne, %convert_element_type3A_385, %cond3A_386 : i32
        scf.if %cond3A_387 {
          %dma_start3A_390 = arith.constant 0 : i32
          %dma_start3A_391 = arith.constant 0 : i32
          %dma_start3A_392 = tpu.memref_slice %arg4[%dma_start3A_390, %dma_start3A_391] : memref<16416x128xf32, #tpu.memory_space<hbm>> -> memref<16416x128xf32, #tpu.memory_space<hbm>>
          tpu.enqueue_indirect_dma source(%arg14 : memref<32x128xf32, #tpu.memory_space<vmem>>) target(%dma_start3A_392 : memref<16416x128xf32, #tpu.memory_space<hbm>>) offsets(%arg15 : memref<32xi32, #tpu.memory_space<vmem>>) semaphore(%arg17 : memref<!tpu.dma_semaphore, #tpu.memory_space<semaphore_mem>>)
          %dma_wait3A = arith.constant 0 : i32
          %dma_wait3A_393 = arith.constant 0 : i32
          %dma_wait3A_394 = tpu.memref_slice %arg4[%dma_wait3A, %dma_wait3A_393] : memref<16416x128xf32, #tpu.memory_space<hbm>> -> memref<16416x128xf32, #tpu.memory_space<hbm>>
          tpu.wait_indirect_dma semaphore(%arg17 : memref<!tpu.dma_semaphore, #tpu.memory_space<semaphore_mem>>) src(%arg14 : memref<32x128xf32, #tpu.memory_space<vmem>>) dst(%dma_wait3A_394 : memref<16416x128xf32, #tpu.memory_space<hbm>>)
        } else {
        }
        %add3A_388 = arith.constant 1 : i32
        %add3A_389 = arith.addi %while3A_318, %add3A_388 : i32
        scf.yield %add3A_389 : i32
      }
      %while3A_315 = arith.constant 1 : i32
      %while3A_316 = scf.for %while3A_317 = %while3A_312 to %while3A_308 step %while3A_315 iter_args(%while3A_318 = %while3A_314) -> (i32)  : i32 {
        %broadcast_in_dim3A_319 = arith.constant 0 : i32
        %broadcast_in_dim3A_320 = vector.broadcast %broadcast_in_dim3A_319 : i32 to vector<16xi32>
        %add3A_321 = vector.broadcast %while3A_317 : i32 to vector<16xi32>
        %add3A_322 = arith.addi %broadcast_in_dim3A_320, %add3A_321 : vector<16xi32>
        %gather3A_323 = tpu.vector_load_idx %arg8[%add3A_322] : memref<16400xi32, #tpu.memory_space<vmem>>[vector<16xi32>], vector<16xi32>,
        %shift_right_arithmetic3A = arith.constant 7 : i32
        %shift_right_arithmetic3A_324 = vector.broadcast %shift_right_arithmetic3A : i32 to vector<16xi32>
        %shift_right_arithmetic3A_325 = arith.shrsi %gather3A_323, %shift_right_arithmetic3A_324 : vector<16xi32>
        %and3A_326 = arith.constant 127 : i32
        %and3A_327 = vector.broadcast %and3A_326 : i32 to vector<16xi32>
        %and3A_328 = arith.andi %gather3A_323, %and3A_327 : vector<16xi32>
        %and3A_329 = arith.constant 31 : i32
        %and3A_330 = arith.andi %while3A_318, %and3A_329 : i32
        %add3A_331 = arith.constant 0 : i32
        %add3A_332 = vector.broadcast %add3A_331 : i32 to vector<16xi32>
        %add3A_333 = arith.addi %iota3A, %add3A_332 : vector<16xi32>
        %gather3A_334 = arith.constant 0 : i32
        %gather3A_335 = arith.constant 0 : i32
        %gather3A_336 = tpu.memref_slice %arg12[%rem3A_306, %gather3A_334, %gather3A_335] : memref<6x64x128xf32, #tpu.memory_space<vmem>> -> memref<1x64x128xf32, #tpu.memory_space<vmem>>
        %gather3A_337 = tpu.memref_squeeze %gather3A_336 : memref<1x64x128xf32, #tpu.memory_space<vmem>> -> memref<64x128xf32, #tpu.memory_space<vmem>>
        %gather3A_338 = tpu.vector_load_idx %gather3A_337[%add3A_333, %and3A_328] : memref<64x128xf32, #tpu.memory_space<vmem>>[vector<16xi32>, vector<16xi32>], vector<16xf32>,
        %broadcast_in_dim3A_339 = arith.constant 0 : i32
        %broadcast_in_dim3A_340 = vector.broadcast %broadcast_in_dim3A_339 : i32 to vector<16xi32>
        %add3A_341 = vector.broadcast %and3A_330 : i32 to vector<16xi32>
        %add3A_342 = arith.addi %broadcast_in_dim3A_340, %add3A_341 : vector<16xi32>
        tpu.vector_store_idx %arg14[%add3A_342, %add3A_333], %gather3A_338 : memref<32x128xf32, #tpu.memory_space<vmem>>[vector<16xi32>, vector<16xi32>], vector<16xf32>,
        %add3A_343 = arith.constant 16 : i32
        %add3A_344 = vector.broadcast %add3A_343 : i32 to vector<16xi32>
        %add3A_345 = arith.addi %iota3A, %add3A_344 : vector<16xi32>
        %gather3A_346 = arith.constant 0 : i32
        %gather3A_347 = arith.constant 0 : i32
        %gather3A_348 = tpu.memref_slice %arg12[%rem3A_306, %gather3A_346, %gather3A_347] : memref<6x64x128xf32, #tpu.memory_space<vmem>> -> memref<1x64x128xf32, #tpu.memory_space<vmem>>
        %gather3A_349 = tpu.memref_squeeze %gather3A_348 : memref<1x64x128xf32, #tpu.memory_space<vmem>> -> memref<64x128xf32, #tpu.memory_space<vmem>>
        %gather3A_350 = tpu.vector_load_idx %gather3A_349[%add3A_345, %and3A_328] : memref<64x128xf32, #tpu.memory_space<vmem>>[vector<16xi32>, vector<16xi32>], vector<16xf32>,
        %broadcast_in_dim3A_351 = arith.constant 0 : i32
        %broadcast_in_dim3A_352 = vector.broadcast %broadcast_in_dim3A_351 : i32 to vector<16xi32>
        %add3A_353 = vector.broadcast %and3A_330 : i32 to vector<16xi32>
        %add3A_354 = arith.addi %broadcast_in_dim3A_352, %add3A_353 : vector<16xi32>
        tpu.vector_store_idx %arg14[%add3A_354, %add3A_345], %gather3A_350 : memref<32x128xf32, #tpu.memory_space<vmem>>[vector<16xi32>, vector<16xi32>], vector<16xf32>,
        %add3A_355 = arith.constant 32 : i32
        %add3A_356 = vector.broadcast %add3A_355 : i32 to vector<16xi32>
        %add3A_357 = arith.addi %iota3A, %add3A_356 : vector<16xi32>
        %gather3A_358 = arith.constant 0 : i32
        %gather3A_359 = arith.constant 0 : i32
        %gather3A_360 = tpu.memref_slice %arg12[%rem3A_306, %gather3A_358, %gather3A_359] : memref<6x64x128xf32, #tpu.memory_space<vmem>> -> memref<1x64x128xf32, #tpu.memory_space<vmem>>
        %gather3A_361 = tpu.memref_squeeze %gather3A_360 : memref<1x64x128xf32, #tpu.memory_space<vmem>> -> memref<64x128xf32, #tpu.memory_space<vmem>>
        %gather3A_362 = tpu.vector_load_idx %gather3A_361[%add3A_357, %and3A_328] : memref<64x128xf32, #tpu.memory_space<vmem>>[vector<16xi32>, vector<16xi32>], vector<16xf32>,
        %broadcast_in_dim3A_363 = arith.constant 0 : i32
        %broadcast_in_dim3A_364 = vector.broadcast %broadcast_in_dim3A_363 : i32 to vector<16xi32>
        %add3A_365 = vector.broadcast %and3A_330 : i32 to vector<16xi32>
        %add3A_366 = arith.addi %broadcast_in_dim3A_364, %add3A_365 : vector<16xi32>
        tpu.vector_store_idx %arg14[%add3A_366, %add3A_357], %gather3A_362 : memref<32x128xf32, #tpu.memory_space<vmem>>[vector<16xi32>, vector<16xi32>], vector<16xf32>,
        %add3A_367 = arith.constant 48 : i32
        %add3A_368 = vector.broadcast %add3A_367 : i32 to vector<16xi32>
        %add3A_369 = arith.addi %iota3A, %add3A_368 : vector<16xi32>
        %gather3A_370 = arith.constant 0 : i32
        %gather3A_371 = arith.constant 0 : i32
        %gather3A_372 = tpu.memref_slice %arg12[%rem3A_306, %gather3A_370, %gather3A_371] : memref<6x64x128xf32, #tpu.memory_space<vmem>> -> memref<1x64x128xf32, #tpu.memory_space<vmem>>
        %gather3A_373 = tpu.memref_squeeze %gather3A_372 : memref<1x64x128xf32, #tpu.memory_space<vmem>> -> memref<64x128xf32, #tpu.memory_space<vmem>>
        %gather3A_374 = tpu.vector_load_idx %gather3A_373[%add3A_369, %and3A_328] : memref<64x128xf32, #tpu.memory_space<vmem>>[vector<16xi32>, vector<16xi32>], vector<16xf32>,
        %broadcast_in_dim3A_375 = arith.constant 0 : i32
        %broadcast_in_dim3A_376 = vector.broadcast %broadcast_in_dim3A_375 : i32 to vector<16xi32>
        %add3A_377 = vector.broadcast %and3A_330 : i32 to vector<16xi32>
        %add3A_378 = arith.addi %broadcast_in_dim3A_376, %add3A_377 : vector<16xi32>
        tpu.vector_store_idx %arg14[%add3A_378, %add3A_369], %gather3A_374 : memref<32x128xf32, #tpu.memory_space<vmem>>[vector<16xi32>, vector<16xi32>], vector<16xf32>,
        %broadcast_in_dim3A_379 = arith.constant 0 : i32
        %broadcast_in_dim3A_380 = vector.broadcast %broadcast_in_dim3A_379 : i32 to vector<16xi32>
        %add3A_381 = vector.broadcast %and3A_330 : i32 to vector<16xi32>
        %add3A_382 = arith.addi %broadcast_in_dim3A_380, %add3A_381 : vector<16xi32>
        tpu.vector_store_idx %arg15[%add3A_382], %shift_right_arithmetic3A_325 : memref<32xi32, #tpu.memory_space<vmem>>[vector<16xi32>], vector<16xi32>,
        %eq3A_383 = arith.constant 31 : i32
        %eq3A_384 = arith.cmpi eq, %and3A_330, %eq3A_383 : i32
        %convert_element_type3A_385 = arith.extui %eq3A_384 : i1 to i32
        %cond3A_386 = arith.constant 0 : i32
        %cond3A_387 = arith.cmpi ne, %convert_element_type3A_385, %cond3A_386 : i32
        scf.if %cond3A_387 {
          %dma_start3A_390 = arith.constant 0 : i32
          %dma_start3A_391 = arith.constant 0 : i32
          %dma_start3A_392 = tpu.memref_slice %arg4[%dma_start3A_390, %dma_start3A_391] : memref<16416x128xf32, #tpu.memory_space<hbm>> -> memref<16416x128xf32, #tpu.memory_space<hbm>>
          tpu.enqueue_indirect_dma source(%arg14 : memref<32x128xf32, #tpu.memory_space<vmem>>) target(%dma_start3A_392 : memref<16416x128xf32, #tpu.memory_space<hbm>>) offsets(%arg15 : memref<32xi32, #tpu.memory_space<vmem>>) semaphore(%arg17 : memref<!tpu.dma_semaphore, #tpu.memory_space<semaphore_mem>>)
          %dma_wait3A = arith.constant 0 : i32
          %dma_wait3A_393 = arith.constant 0 : i32
          %dma_wait3A_394 = tpu.memref_slice %arg4[%dma_wait3A, %dma_wait3A_393] : memref<16416x128xf32, #tpu.memory_space<hbm>> -> memref<16416x128xf32, #tpu.memory_space<hbm>>
          tpu.wait_indirect_dma semaphore(%arg17 : memref<!tpu.dma_semaphore, #tpu.memory_space<semaphore_mem>>) src(%arg14 : memref<32x128xf32, #tpu.memory_space<vmem>>) dst(%dma_wait3A_394 : memref<16416x128xf32, #tpu.memory_space<hbm>>)
        } else {
        }
        %add3A_388 = arith.constant 1 : i32
        %add3A_389 = arith.addi %while3A_318, %add3A_388 : i32
        scf.yield %add3A_389 : i32
      }
      scf.yield %while3A_316 : i32
    }
    %while3A_220 = arith.constant 1 : i32
    %while3A_221 = scf.for %while3A_264 = %while3A_217 to %while3A_213 step %while3A_220 iter_args(%while3A_265 = %while3A_219) -> (i32)  : i32 {
      %add3A_266 = arith.constant 5 : i32
      %add3A_267 = arith.addi %while3A_264, %add3A_266 : i32
      %lt3A_268 = arith.cmpi slt, %add3A_267, %add3A_3 : i32
      %convert_element_type3A_269 = arith.extui %lt3A_268 : i1 to i32
      %cond3A_270 = arith.constant 0 : i32
      %cond3A_271 = arith.cmpi ne, %convert_element_type3A_269, %cond3A_270 : i32
      scf.if %cond3A_271 {
        %add3A_317 = arith.constant 5 : i32
        %add3A_318 = arith.addi %while3A_264, %add3A_317 : i32
        %broadcast_in_dim3A_319 = arith.constant 0 : i32
        %broadcast_in_dim3A_320 = vector.broadcast %broadcast_in_dim3A_319 : i32 to vector<16xi32>
        %add3A_321 = vector.broadcast %add3A_318 : i32 to vector<16xi32>
        %add3A_322 = arith.addi %broadcast_in_dim3A_320, %add3A_321 : vector<16xi32>
        %gather3A_323 = tpu.vector_load_idx %arg10[%add3A_322] : memref<272xi32, #tpu.memory_space<vmem>>[vector<16xi32>], vector<16xi32>,
        %reduce_max3A_324 = arith.constant true
        %reduce_max3A_325 = vector.broadcast %reduce_max3A_324 : i1 to vector<16xi1>
        %reduce_max3A_326 = arith.constant -2147483648 : i32
        %reduce_max3A_327 = vector.broadcast %reduce_max3A_326 : i32 to vector<16xi32>
        %reduce_max3A_328 = arith.xori %gather3A_323, %reduce_max3A_327 : vector<16xi32>
        %reduce_max3A_329 = tpu.scan <max>, %reduce_max3A_328 masked %reduce_max3A_325 : vector<16xi32>, vector<16xi1> -> vector<16xi32>
        %reduce_max3A_330 = arith.xori %reduce_max3A_329, %reduce_max3A_327 : vector<16xi32>
        %reduce_max3A_331 = vector.extract %reduce_max3A_330[15] : i32 from vector<16xi32>
        %add3A_332 = arith.constant 1 : i32
        %add3A_333 = arith.addi %add3A_318, %add3A_332 : i32
        %broadcast_in_dim3A_334 = arith.constant 0 : i32
        %broadcast_in_dim3A_335 = vector.broadcast %broadcast_in_dim3A_334 : i32 to vector<16xi32>
        %add3A_336 = vector.broadcast %add3A_333 : i32 to vector<16xi32>
        %add3A_337 = arith.addi %broadcast_in_dim3A_335, %add3A_336 : vector<16xi32>
        %gather3A_338 = tpu.vector_load_idx %arg10[%add3A_337] : memref<272xi32, #tpu.memory_space<vmem>>[vector<16xi32>], vector<16xi32>,
        %reduce_max3A_339 = arith.constant true
        %reduce_max3A_340 = vector.broadcast %reduce_max3A_339 : i1 to vector<16xi1>
        %reduce_max3A_341 = arith.constant -2147483648 : i32
        %reduce_max3A_342 = vector.broadcast %reduce_max3A_341 : i32 to vector<16xi32>
        %reduce_max3A_343 = arith.xori %gather3A_338, %reduce_max3A_342 : vector<16xi32>
        %reduce_max3A_344 = tpu.scan <max>, %reduce_max3A_343 masked %reduce_max3A_340 : vector<16xi32>, vector<16xi1> -> vector<16xi32>
        %reduce_max3A_345 = arith.xori %reduce_max3A_344, %reduce_max3A_342 : vector<16xi32>
        %reduce_max3A_346 = vector.extract %reduce_max3A_345[15] : i32 from vector<16xi32>
        %gt3A_347 = arith.cmpi sgt, %reduce_max3A_346, %reduce_max3A_331 : i32
        %convert_element_type3A_348 = arith.extui %gt3A_347 : i1 to i32
        %cond3A_349 = arith.constant 0 : i32
        %cond3A_350 = arith.cmpi ne, %convert_element_type3A_348, %cond3A_349 : i32
        scf.if %cond3A_350 {
          %add3A_351 = arith.constant 5 : i32
          %add3A_352 = arith.addi %while3A_264, %add3A_351 : i32
          %mul3A_353 = arith.constant 32 : i32
          %mul3A_354 = arith.muli %add3A_352, %mul3A_353 : i32
          %add3A_355 = arith.addi %mul3A_354, %add3A : i32
          %mul3A_356 = arith.constant 128 : i32
          %mul3A_357 = arith.muli %add3A_355, %mul3A_356 : i32
          %multiple_of3A_358 = tpu.assume_multiple %mul3A_357, 128 : i32
          %rem3A_359 = arith.constant 6 : i32
          %rem3A_360 = arith.remsi %add3A_352, %rem3A_359 : i32
          %dma_start3A_361 = arith.constant 0 : i32
          %dma_start3A_362 = arith.constant 0 : i32
          %dma_start3A_363 = tpu.memref_slice %arg12[%rem3A_360, %dma_start3A_361, %dma_start3A_362] : memref<6x64x128xf32, #tpu.memory_space<vmem>> -> memref<1x64x128xf32, #tpu.memory_space<vmem>>
          %dma_start3A_364 = tpu.memref_squeeze %dma_start3A_363 : memref<1x64x128xf32, #tpu.memory_space<vmem>> -> memref<64x128xf32, #tpu.memory_space<vmem>>
          %dma_start3A_365 = arith.constant 0 : i32
          %dma_start3A_366 = tpu.memref_slice %arg3[%dma_start3A_365, %multiple_of3A_358] : memref<64x1000000xf32, #tpu.memory_space<hbm>> -> memref<64x128xf32, #tpu.memory_space<hbm>>
          %dma_start3A_367 = arith.constant 0 : i32
          %dma_start3A_368 = arith.constant 0 : i32
          %dma_start3A_369 = tpu.memref_slice %arg12[%rem3A_360, %dma_start3A_367, %dma_start3A_368] : memref<6x64x128xf32, #tpu.memory_space<vmem>> -> memref<1x64x128xf32, #tpu.memory_space<vmem>>
          %dma_start3A_370 = tpu.memref_squeeze %dma_start3A_369 : memref<1x64x128xf32, #tpu.memory_space<vmem>> -> memref<64x128xf32, #tpu.memory_space<vmem>>
          %dma_start3A_371 = arith.constant 0 : i32
          %dma_start3A_372 = tpu.memref_slice %arg3[%dma_start3A_371, %multiple_of3A_358] : memref<64x1000000xf32, #tpu.memory_space<hbm>> -> memref<64x128xf32, #tpu.memory_space<hbm>>
          tpu.enqueue_dma source(%dma_start3A_372 : memref<64x128xf32, #tpu.memory_space<hbm>>) target(%dma_start3A_370 : memref<64x128xf32, #tpu.memory_space<vmem>>) target_semaphore(%arg16 : memref<!tpu.dma_semaphore, #tpu.memory_space<semaphore_mem>>)
        } else {
        }
      } else {
      }
      %broadcast_in_dim3A_272 = arith.constant 0 : i32
      %broadcast_in_dim3A_273 = vector.broadcast %broadcast_in_dim3A_272 : i32 to vector<16xi32>
      %add3A_274 = vector.broadcast %while3A_264 : i32 to vector<16xi32>
      %add3A_275 = arith.addi %broadcast_in_dim3A_273, %add3A_274 : vector<16xi32>
      %gather3A_276 = tpu.vector_load_idx %arg10[%add3A_275] : memref<272xi32, #tpu.memory_space<vmem>>[vector<16xi32>], vector<16xi32>,
      %reduce_max3A_277 = arith.constant true
      %reduce_max3A_278 = vector.broadcast %reduce_max3A_277 : i1 to vector<16xi1>
      %reduce_max3A_279 = arith.constant -2147483648 : i32
      %reduce_max3A_280 = vector.broadcast %reduce_max3A_279 : i32 to vector<16xi32>
      %reduce_max3A_281 = arith.xori %gather3A_276, %reduce_max3A_280 : vector<16xi32>
      %reduce_max3A_282 = tpu.scan <max>, %reduce_max3A_281 masked %reduce_max3A_278 : vector<16xi32>, vector<16xi1> -> vector<16xi32>
      %reduce_max3A_283 = arith.xori %reduce_max3A_282, %reduce_max3A_280 : vector<16xi32>
      %reduce_max3A_284 = vector.extract %reduce_max3A_283[15] : i32 from vector<16xi32>
      %add3A_285 = arith.constant 1 : i32
      %add3A_286 = arith.addi %while3A_264, %add3A_285 : i32
      %broadcast_in_dim3A_287 = arith.constant 0 : i32
      %broadcast_in_dim3A_288 = vector.broadcast %broadcast_in_dim3A_287 : i32 to vector<16xi32>
      %add3A_289 = vector.broadcast %add3A_286 : i32 to vector<16xi32>
      %add3A_290 = arith.addi %broadcast_in_dim3A_288, %add3A_289 : vector<16xi32>
      %gather3A_291 = tpu.vector_load_idx %arg10[%add3A_290] : memref<272xi32, #tpu.memory_space<vmem>>[vector<16xi32>], vector<16xi32>,
      %reduce_max3A_292 = arith.constant true
      %reduce_max3A_293 = vector.broadcast %reduce_max3A_292 : i1 to vector<16xi1>
      %reduce_max3A_294 = arith.constant -2147483648 : i32
      %reduce_max3A_295 = vector.broadcast %reduce_max3A_294 : i32 to vector<16xi32>
      %reduce_max3A_296 = arith.xori %gather3A_291, %reduce_max3A_295 : vector<16xi32>
      %reduce_max3A_297 = tpu.scan <max>, %reduce_max3A_296 masked %reduce_max3A_293 : vector<16xi32>, vector<16xi1> -> vector<16xi32>
      %reduce_max3A_298 = arith.xori %reduce_max3A_297, %reduce_max3A_295 : vector<16xi32>
      %reduce_max3A_299 = vector.extract %reduce_max3A_298[15] : i32 from vector<16xi32>
      %lt3A_300 = arith.constant 5 : i32
      %lt3A_301 = arith.cmpi slt, %while3A_264, %lt3A_300 : i32
      %gt3A = arith.cmpi sgt, %reduce_max3A_299, %reduce_max3A_284 : i32
      %or3A = arith.ori %lt3A_301, %gt3A : i1
      %convert_element_type3A_302 = arith.extui %or3A : i1 to i32
      %cond3A_303 = arith.constant 0 : i32
      %cond3A_304 = arith.cmpi ne, %convert_element_type3A_302, %cond3A_303 : i32
      scf.if %cond3A_304 {
        %dma_wait3A = arith.constant 0 : i32
        %dma_wait3A_317 = arith.constant 0 : i32
        %dma_wait3A_318 = arith.constant 0 : i32
        %dma_wait3A_319 = tpu.memref_slice %arg12[%dma_wait3A, %dma_wait3A_317, %dma_wait3A_318] : memref<6x64x128xf32, #tpu.memory_space<vmem>> -> memref<1x64x128xf32, #tpu.memory_space<vmem>>
        %dma_wait3A_320 = tpu.memref_squeeze %dma_wait3A_319 : memref<1x64x128xf32, #tpu.memory_space<vmem>> -> memref<64x128xf32, #tpu.memory_space<vmem>>
        %dma_wait3A_321 = arith.constant 0 : i32
        %dma_wait3A_322 = arith.constant 0 : i32
        %dma_wait3A_323 = tpu.memref_slice %arg3[%dma_wait3A_321, %dma_wait3A_322] : memref<64x1000000xf32, #tpu.memory_space<hbm>> -> memref<64x128xf32, #tpu.memory_space<hbm>>
        %dma_wait3A_324 = arith.constant 0 : i32
        %dma_wait3A_325 = arith.constant 0 : i32
        %dma_wait3A_326 = tpu.memref_slice %arg12[%dma_wait3A, %dma_wait3A_324, %dma_wait3A_325] : memref<6x64x128xf32, #tpu.memory_space<vmem>> -> memref<1x64x128xf32, #tpu.memory_space<vmem>>
        %dma_wait3A_327 = tpu.memref_squeeze %dma_wait3A_326 : memref<1x64x128xf32, #tpu.memory_space<vmem>> -> memref<64x128xf32, #tpu.memory_space<vmem>>
        %dma_wait3A_328 = arith.constant 0 : i32
        %dma_wait3A_329 = arith.constant 0 : i32
        %dma_wait3A_330 = tpu.memref_slice %arg3[%dma_wait3A_328, %dma_wait3A_329] : memref<64x1000000xf32, #tpu.memory_space<hbm>> -> memref<64x128xf32, #tpu.memory_space<hbm>>
        tpu.wait_dma2 semaphore(%arg16 : memref<!tpu.dma_semaphore, #tpu.memory_space<semaphore_mem>>) src(%dma_wait3A_330 : memref<64x128xf32, #tpu.memory_space<hbm>>) dst(%dma_wait3A_327 : memref<64x128xf32, #tpu.memory_space<vmem>>)
      } else {
      }
      %rem3A_305 = arith.constant 6 : i32
      %rem3A_306 = arith.remsi %while3A_264, %rem3A_305 : i32
      %while3A_307 = arith.subi %reduce_max3A_299, %reduce_max3A_284 : i32
      %while3A_308 = arith.addi %reduce_max3A_284, %while3A_307 : i32
      %while3A_309 = arith.constant 1 : i32
      %while3A_310 = arith.divsi %while3A_307, %while3A_309 : i32
      %while3A_311 = arith.muli %while3A_310, %while3A_309 : i32
      %while3A_312 = arith.addi %reduce_max3A_284, %while3A_311 : i32
      %while3A_313 = arith.constant 1 : i32
      %while3A_314 = scf.for %while3A_317 = %reduce_max3A_284 to %while3A_312 step %while3A_313 iter_args(%while3A_318 = %while3A_265) -> (i32)  : i32 {
        %broadcast_in_dim3A_319 = arith.constant 0 : i32
        %broadcast_in_dim3A_320 = vector.broadcast %broadcast_in_dim3A_319 : i32 to vector<16xi32>
        %add3A_321 = vector.broadcast %while3A_317 : i32 to vector<16xi32>
        %add3A_322 = arith.addi %broadcast_in_dim3A_320, %add3A_321 : vector<16xi32>
        %gather3A_323 = tpu.vector_load_idx %arg8[%add3A_322] : memref<16400xi32, #tpu.memory_space<vmem>>[vector<16xi32>], vector<16xi32>,
        %shift_right_arithmetic3A = arith.constant 7 : i32
        %shift_right_arithmetic3A_324 = vector.broadcast %shift_right_arithmetic3A : i32 to vector<16xi32>
        %shift_right_arithmetic3A_325 = arith.shrsi %gather3A_323, %shift_right_arithmetic3A_324 : vector<16xi32>
        %and3A_326 = arith.constant 127 : i32
        %and3A_327 = vector.broadcast %and3A_326 : i32 to vector<16xi32>
        %and3A_328 = arith.andi %gather3A_323, %and3A_327 : vector<16xi32>
        %and3A_329 = arith.constant 31 : i32
        %and3A_330 = arith.andi %while3A_318, %and3A_329 : i32
        %add3A_331 = arith.constant 0 : i32
        %add3A_332 = vector.broadcast %add3A_331 : i32 to vector<16xi32>
        %add3A_333 = arith.addi %iota3A, %add3A_332 : vector<16xi32>
        %gather3A_334 = arith.constant 0 : i32
        %gather3A_335 = arith.constant 0 : i32
        %gather3A_336 = tpu.memref_slice %arg12[%rem3A_306, %gather3A_334, %gather3A_335] : memref<6x64x128xf32, #tpu.memory_space<vmem>> -> memref<1x64x128xf32, #tpu.memory_space<vmem>>
        %gather3A_337 = tpu.memref_squeeze %gather3A_336 : memref<1x64x128xf32, #tpu.memory_space<vmem>> -> memref<64x128xf32, #tpu.memory_space<vmem>>
        %gather3A_338 = tpu.vector_load_idx %gather3A_337[%add3A_333, %and3A_328] : memref<64x128xf32, #tpu.memory_space<vmem>>[vector<16xi32>, vector<16xi32>], vector<16xf32>,
        %broadcast_in_dim3A_339 = arith.constant 0 : i32
        %broadcast_in_dim3A_340 = vector.broadcast %broadcast_in_dim3A_339 : i32 to vector<16xi32>
        %add3A_341 = vector.broadcast %and3A_330 : i32 to vector<16xi32>
        %add3A_342 = arith.addi %broadcast_in_dim3A_340, %add3A_341 : vector<16xi32>
        tpu.vector_store_idx %arg14[%add3A_342, %add3A_333], %gather3A_338 : memref<32x128xf32, #tpu.memory_space<vmem>>[vector<16xi32>, vector<16xi32>], vector<16xf32>,
        %add3A_343 = arith.constant 16 : i32
        %add3A_344 = vector.broadcast %add3A_343 : i32 to vector<16xi32>
        %add3A_345 = arith.addi %iota3A, %add3A_344 : vector<16xi32>
        %gather3A_346 = arith.constant 0 : i32
        %gather3A_347 = arith.constant 0 : i32
        %gather3A_348 = tpu.memref_slice %arg12[%rem3A_306, %gather3A_346, %gather3A_347] : memref<6x64x128xf32, #tpu.memory_space<vmem>> -> memref<1x64x128xf32, #tpu.memory_space<vmem>>
        %gather3A_349 = tpu.memref_squeeze %gather3A_348 : memref<1x64x128xf32, #tpu.memory_space<vmem>> -> memref<64x128xf32, #tpu.memory_space<vmem>>
        %gather3A_350 = tpu.vector_load_idx %gather3A_349[%add3A_345, %and3A_328] : memref<64x128xf32, #tpu.memory_space<vmem>>[vector<16xi32>, vector<16xi32>], vector<16xf32>,
        %broadcast_in_dim3A_351 = arith.constant 0 : i32
        %broadcast_in_dim3A_352 = vector.broadcast %broadcast_in_dim3A_351 : i32 to vector<16xi32>
        %add3A_353 = vector.broadcast %and3A_330 : i32 to vector<16xi32>
        %add3A_354 = arith.addi %broadcast_in_dim3A_352, %add3A_353 : vector<16xi32>
        tpu.vector_store_idx %arg14[%add3A_354, %add3A_345], %gather3A_350 : memref<32x128xf32, #tpu.memory_space<vmem>>[vector<16xi32>, vector<16xi32>], vector<16xf32>,
        %add3A_355 = arith.constant 32 : i32
        %add3A_356 = vector.broadcast %add3A_355 : i32 to vector<16xi32>
        %add3A_357 = arith.addi %iota3A, %add3A_356 : vector<16xi32>
        %gather3A_358 = arith.constant 0 : i32
        %gather3A_359 = arith.constant 0 : i32
        %gather3A_360 = tpu.memref_slice %arg12[%rem3A_306, %gather3A_358, %gather3A_359] : memref<6x64x128xf32, #tpu.memory_space<vmem>> -> memref<1x64x128xf32, #tpu.memory_space<vmem>>
        %gather3A_361 = tpu.memref_squeeze %gather3A_360 : memref<1x64x128xf32, #tpu.memory_space<vmem>> -> memref<64x128xf32, #tpu.memory_space<vmem>>
        %gather3A_362 = tpu.vector_load_idx %gather3A_361[%add3A_357, %and3A_328] : memref<64x128xf32, #tpu.memory_space<vmem>>[vector<16xi32>, vector<16xi32>], vector<16xf32>,
        %broadcast_in_dim3A_363 = arith.constant 0 : i32
        %broadcast_in_dim3A_364 = vector.broadcast %broadcast_in_dim3A_363 : i32 to vector<16xi32>
        %add3A_365 = vector.broadcast %and3A_330 : i32 to vector<16xi32>
        %add3A_366 = arith.addi %broadcast_in_dim3A_364, %add3A_365 : vector<16xi32>
        tpu.vector_store_idx %arg14[%add3A_366, %add3A_357], %gather3A_362 : memref<32x128xf32, #tpu.memory_space<vmem>>[vector<16xi32>, vector<16xi32>], vector<16xf32>,
        %add3A_367 = arith.constant 48 : i32
        %add3A_368 = vector.broadcast %add3A_367 : i32 to vector<16xi32>
        %add3A_369 = arith.addi %iota3A, %add3A_368 : vector<16xi32>
        %gather3A_370 = arith.constant 0 : i32
        %gather3A_371 = arith.constant 0 : i32
        %gather3A_372 = tpu.memref_slice %arg12[%rem3A_306, %gather3A_370, %gather3A_371] : memref<6x64x128xf32, #tpu.memory_space<vmem>> -> memref<1x64x128xf32, #tpu.memory_space<vmem>>
        %gather3A_373 = tpu.memref_squeeze %gather3A_372 : memref<1x64x128xf32, #tpu.memory_space<vmem>> -> memref<64x128xf32, #tpu.memory_space<vmem>>
        %gather3A_374 = tpu.vector_load_idx %gather3A_373[%add3A_369, %and3A_328] : memref<64x128xf32, #tpu.memory_space<vmem>>[vector<16xi32>, vector<16xi32>], vector<16xf32>,
        %broadcast_in_dim3A_375 = arith.constant 0 : i32
        %broadcast_in_dim3A_376 = vector.broadcast %broadcast_in_dim3A_375 : i32 to vector<16xi32>
        %add3A_377 = vector.broadcast %and3A_330 : i32 to vector<16xi32>
        %add3A_378 = arith.addi %broadcast_in_dim3A_376, %add3A_377 : vector<16xi32>
        tpu.vector_store_idx %arg14[%add3A_378, %add3A_369], %gather3A_374 : memref<32x128xf32, #tpu.memory_space<vmem>>[vector<16xi32>, vector<16xi32>], vector<16xf32>,
        %broadcast_in_dim3A_379 = arith.constant 0 : i32
        %broadcast_in_dim3A_380 = vector.broadcast %broadcast_in_dim3A_379 : i32 to vector<16xi32>
        %add3A_381 = vector.broadcast %and3A_330 : i32 to vector<16xi32>
        %add3A_382 = arith.addi %broadcast_in_dim3A_380, %add3A_381 : vector<16xi32>
        tpu.vector_store_idx %arg15[%add3A_382], %shift_right_arithmetic3A_325 : memref<32xi32, #tpu.memory_space<vmem>>[vector<16xi32>], vector<16xi32>,
        %eq3A_383 = arith.constant 31 : i32
        %eq3A_384 = arith.cmpi eq, %and3A_330, %eq3A_383 : i32
        %convert_element_type3A_385 = arith.extui %eq3A_384 : i1 to i32
        %cond3A_386 = arith.constant 0 : i32
        %cond3A_387 = arith.cmpi ne, %convert_element_type3A_385, %cond3A_386 : i32
        scf.if %cond3A_387 {
          %dma_start3A_390 = arith.constant 0 : i32
          %dma_start3A_391 = arith.constant 0 : i32
          %dma_start3A_392 = tpu.memref_slice %arg4[%dma_start3A_390, %dma_start3A_391] : memref<16416x128xf32, #tpu.memory_space<hbm>> -> memref<16416x128xf32, #tpu.memory_space<hbm>>
          tpu.enqueue_indirect_dma source(%arg14 : memref<32x128xf32, #tpu.memory_space<vmem>>) target(%dma_start3A_392 : memref<16416x128xf32, #tpu.memory_space<hbm>>) offsets(%arg15 : memref<32xi32, #tpu.memory_space<vmem>>) semaphore(%arg17 : memref<!tpu.dma_semaphore, #tpu.memory_space<semaphore_mem>>)
          %dma_wait3A = arith.constant 0 : i32
          %dma_wait3A_393 = arith.constant 0 : i32
          %dma_wait3A_394 = tpu.memref_slice %arg4[%dma_wait3A, %dma_wait3A_393] : memref<16416x128xf32, #tpu.memory_space<hbm>> -> memref<16416x128xf32, #tpu.memory_space<hbm>>
          tpu.wait_indirect_dma semaphore(%arg17 : memref<!tpu.dma_semaphore, #tpu.memory_space<semaphore_mem>>) src(%arg14 : memref<32x128xf32, #tpu.memory_space<vmem>>) dst(%dma_wait3A_394 : memref<16416x128xf32, #tpu.memory_space<hbm>>)
        } else {
        }
        %add3A_388 = arith.constant 1 : i32
        %add3A_389 = arith.addi %while3A_318, %add3A_388 : i32
        scf.yield %add3A_389 : i32
      }
      %while3A_315 = arith.constant 1 : i32
      %while3A_316 = scf.for %while3A_317 = %while3A_312 to %while3A_308 step %while3A_315 iter_args(%while3A_318 = %while3A_314) -> (i32)  : i32 {
        %broadcast_in_dim3A_319 = arith.constant 0 : i32
        %broadcast_in_dim3A_320 = vector.broadcast %broadcast_in_dim3A_319 : i32 to vector<16xi32>
        %add3A_321 = vector.broadcast %while3A_317 : i32 to vector<16xi32>
        %add3A_322 = arith.addi %broadcast_in_dim3A_320, %add3A_321 : vector<16xi32>
        %gather3A_323 = tpu.vector_load_idx %arg8[%add3A_322] : memref<16400xi32, #tpu.memory_space<vmem>>[vector<16xi32>], vector<16xi32>,
        %shift_right_arithmetic3A = arith.constant 7 : i32
        %shift_right_arithmetic3A_324 = vector.broadcast %shift_right_arithmetic3A : i32 to vector<16xi32>
        %shift_right_arithmetic3A_325 = arith.shrsi %gather3A_323, %shift_right_arithmetic3A_324 : vector<16xi32>
        %and3A_326 = arith.constant 127 : i32
        %and3A_327 = vector.broadcast %and3A_326 : i32 to vector<16xi32>
        %and3A_328 = arith.andi %gather3A_323, %and3A_327 : vector<16xi32>
        %and3A_329 = arith.constant 31 : i32
        %and3A_330 = arith.andi %while3A_318, %and3A_329 : i32
        %add3A_331 = arith.constant 0 : i32
        %add3A_332 = vector.broadcast %add3A_331 : i32 to vector<16xi32>
        %add3A_333 = arith.addi %iota3A, %add3A_332 : vector<16xi32>
        %gather3A_334 = arith.constant 0 : i32
        %gather3A_335 = arith.constant 0 : i32
        %gather3A_336 = tpu.memref_slice %arg12[%rem3A_306, %gather3A_334, %gather3A_335] : memref<6x64x128xf32, #tpu.memory_space<vmem>> -> memref<1x64x128xf32, #tpu.memory_space<vmem>>
        %gather3A_337 = tpu.memref_squeeze %gather3A_336 : memref<1x64x128xf32, #tpu.memory_space<vmem>> -> memref<64x128xf32, #tpu.memory_space<vmem>>
        %gather3A_338 = tpu.vector_load_idx %gather3A_337[%add3A_333, %and3A_328] : memref<64x128xf32, #tpu.memory_space<vmem>>[vector<16xi32>, vector<16xi32>], vector<16xf32>,
        %broadcast_in_dim3A_339 = arith.constant 0 : i32
        %broadcast_in_dim3A_340 = vector.broadcast %broadcast_in_dim3A_339 : i32 to vector<16xi32>
        %add3A_341 = vector.broadcast %and3A_330 : i32 to vector<16xi32>
        %add3A_342 = arith.addi %broadcast_in_dim3A_340, %add3A_341 : vector<16xi32>
        tpu.vector_store_idx %arg14[%add3A_342, %add3A_333], %gather3A_338 : memref<32x128xf32, #tpu.memory_space<vmem>>[vector<16xi32>, vector<16xi32>], vector<16xf32>,
        %add3A_343 = arith.constant 16 : i32
        %add3A_344 = vector.broadcast %add3A_343 : i32 to vector<16xi32>
        %add3A_345 = arith.addi %iota3A, %add3A_344 : vector<16xi32>
        %gather3A_346 = arith.constant 0 : i32
        %gather3A_347 = arith.constant 0 : i32
        %gather3A_348 = tpu.memref_slice %arg12[%rem3A_306, %gather3A_346, %gather3A_347] : memref<6x64x128xf32, #tpu.memory_space<vmem>> -> memref<1x64x128xf32, #tpu.memory_space<vmem>>
        %gather3A_349 = tpu.memref_squeeze %gather3A_348 : memref<1x64x128xf32, #tpu.memory_space<vmem>> -> memref<64x128xf32, #tpu.memory_space<vmem>>
        %gather3A_350 = tpu.vector_load_idx %gather3A_349[%add3A_345, %and3A_328] : memref<64x128xf32, #tpu.memory_space<vmem>>[vector<16xi32>, vector<16xi32>], vector<16xf32>,
        %broadcast_in_dim3A_351 = arith.constant 0 : i32
        %broadcast_in_dim3A_352 = vector.broadcast %broadcast_in_dim3A_351 : i32 to vector<16xi32>
        %add3A_353 = vector.broadcast %and3A_330 : i32 to vector<16xi32>
        %add3A_354 = arith.addi %broadcast_in_dim3A_352, %add3A_353 : vector<16xi32>
        tpu.vector_store_idx %arg14[%add3A_354, %add3A_345], %gather3A_350 : memref<32x128xf32, #tpu.memory_space<vmem>>[vector<16xi32>, vector<16xi32>], vector<16xf32>,
        %add3A_355 = arith.constant 32 : i32
        %add3A_356 = vector.broadcast %add3A_355 : i32 to vector<16xi32>
        %add3A_357 = arith.addi %iota3A, %add3A_356 : vector<16xi32>
        %gather3A_358 = arith.constant 0 : i32
        %gather3A_359 = arith.constant 0 : i32
        %gather3A_360 = tpu.memref_slice %arg12[%rem3A_306, %gather3A_358, %gather3A_359] : memref<6x64x128xf32, #tpu.memory_space<vmem>> -> memref<1x64x128xf32, #tpu.memory_space<vmem>>
        %gather3A_361 = tpu.memref_squeeze %gather3A_360 : memref<1x64x128xf32, #tpu.memory_space<vmem>> -> memref<64x128xf32, #tpu.memory_space<vmem>>
        %gather3A_362 = tpu.vector_load_idx %gather3A_361[%add3A_357, %and3A_328] : memref<64x128xf32, #tpu.memory_space<vmem>>[vector<16xi32>, vector<16xi32>], vector<16xf32>,
        %broadcast_in_dim3A_363 = arith.constant 0 : i32
        %broadcast_in_dim3A_364 = vector.broadcast %broadcast_in_dim3A_363 : i32 to vector<16xi32>
        %add3A_365 = vector.broadcast %and3A_330 : i32 to vector<16xi32>
        %add3A_366 = arith.addi %broadcast_in_dim3A_364, %add3A_365 : vector<16xi32>
        tpu.vector_store_idx %arg14[%add3A_366, %add3A_357], %gather3A_362 : memref<32x128xf32, #tpu.memory_space<vmem>>[vector<16xi32>, vector<16xi32>], vector<16xf32>,
        %add3A_367 = arith.constant 48 : i32
        %add3A_368 = vector.broadcast %add3A_367 : i32 to vector<16xi32>
        %add3A_369 = arith.addi %iota3A, %add3A_368 : vector<16xi32>
        %gather3A_370 = arith.constant 0 : i32
        %gather3A_371 = arith.constant 0 : i32
        %gather3A_372 = tpu.memref_slice %arg12[%rem3A_306, %gather3A_370, %gather3A_371] : memref<6x64x128xf32, #tpu.memory_space<vmem>> -> memref<1x64x128xf32, #tpu.memory_space<vmem>>
        %gather3A_373 = tpu.memref_squeeze %gather3A_372 : memref<1x64x128xf32, #tpu.memory_space<vmem>> -> memref<64x128xf32, #tpu.memory_space<vmem>>
        %gather3A_374 = tpu.vector_load_idx %gather3A_373[%add3A_369, %and3A_328] : memref<64x128xf32, #tpu.memory_space<vmem>>[vector<16xi32>, vector<16xi32>], vector<16xf32>,
        %broadcast_in_dim3A_375 = arith.constant 0 : i32
        %broadcast_in_dim3A_376 = vector.broadcast %broadcast_in_dim3A_375 : i32 to vector<16xi32>
        %add3A_377 = vector.broadcast %and3A_330 : i32 to vector<16xi32>
        %add3A_378 = arith.addi %broadcast_in_dim3A_376, %add3A_377 : vector<16xi32>
        tpu.vector_store_idx %arg14[%add3A_378, %add3A_369], %gather3A_374 : memref<32x128xf32, #tpu.memory_space<vmem>>[vector<16xi32>, vector<16xi32>], vector<16xf32>,
        %broadcast_in_dim3A_379 = arith.constant 0 : i32
        %broadcast_in_dim3A_380 = vector.broadcast %broadcast_in_dim3A_379 : i32 to vector<16xi32>
        %add3A_381 = vector.broadcast %and3A_330 : i32 to vector<16xi32>
        %add3A_382 = arith.addi %broadcast_in_dim3A_380, %add3A_381 : vector<16xi32>
        tpu.vector_store_idx %arg15[%add3A_382], %shift_right_arithmetic3A_325 : memref<32xi32, #tpu.memory_space<vmem>>[vector<16xi32>], vector<16xi32>,
        %eq3A_383 = arith.constant 31 : i32
        %eq3A_384 = arith.cmpi eq, %and3A_330, %eq3A_383 : i32
        %convert_element_type3A_385 = arith.extui %eq3A_384 : i1 to i32
        %cond3A_386 = arith.constant 0 : i32
        %cond3A_387 = arith.cmpi ne, %convert_element_type3A_385, %cond3A_386 : i32
        scf.if %cond3A_387 {
          %dma_start3A_390 = arith.constant 0 : i32
          %dma_start3A_391 = arith.constant 0 : i32
          %dma_start3A_392 = tpu.memref_slice %arg4[%dma_start3A_390, %dma_start3A_391] : memref<16416x128xf32, #tpu.memory_space<hbm>> -> memref<16416x128xf32, #tpu.memory_space<hbm>>
          tpu.enqueue_indirect_dma source(%arg14 : memref<32x128xf32, #tpu.memory_space<vmem>>) target(%dma_start3A_392 : memref<16416x128xf32, #tpu.memory_space<hbm>>) offsets(%arg15 : memref<32xi32, #tpu.memory_space<vmem>>) semaphore(%arg17 : memref<!tpu.dma_semaphore, #tpu.memory_space<semaphore_mem>>)
          %dma_wait3A = arith.constant 0 : i32
          %dma_wait3A_393 = arith.constant 0 : i32
          %dma_wait3A_394 = tpu.memref_slice %arg4[%dma_wait3A, %dma_wait3A_393] : memref<16416x128xf32, #tpu.memory_space<hbm>> -> memref<16416x128xf32, #tpu.memory_space<hbm>>
          tpu.wait_indirect_dma semaphore(%arg17 : memref<!tpu.dma_semaphore, #tpu.memory_space<semaphore_mem>>) src(%arg14 : memref<32x128xf32, #tpu.memory_space<vmem>>) dst(%dma_wait3A_394 : memref<16416x128xf32, #tpu.memory_space<hbm>>)
        } else {
        }
        %add3A_388 = arith.constant 1 : i32
        %add3A_389 = arith.addi %while3A_318, %add3A_388 : i32
        scf.yield %add3A_389 : i32
      }
      scf.yield %while3A_316 : i32
    }
    "tpu.region"() ({
      %run_scoped3A = tpu.sem_alloc : memref<!tpu.dma_semaphore, #tpu.memory_space<semaphore_mem>>
      %dma_start3A_264 = arith.constant 0 : i32
      %dma_start3A_265 = arith.constant 999936 : i32
      %dma_start3A_266 = tpu.memref_slice %arg3[%dma_start3A_264, %dma_start3A_265] : memref<64x1000000xf32, #tpu.memory_space<hbm>> -> memref<64x64xf32, #tpu.memory_space<hbm>>
      %dma_start3A_267 = arith.constant 0 : i32
      %dma_start3A_268 = arith.constant 999936 : i32
      %dma_start3A_269 = tpu.memref_slice %arg3[%dma_start3A_267, %dma_start3A_268] : memref<64x1000000xf32, #tpu.memory_space<hbm>> -> memref<64x64xf32, #tpu.memory_space<hbm>>
      tpu.enqueue_dma source(%dma_start3A_269 : memref<64x64xf32, #tpu.memory_space<hbm>>) target(%arg13 : memref<64x64xf32, #tpu.memory_space<vmem>>) target_semaphore(%run_scoped3A : memref<!tpu.dma_semaphore, #tpu.memory_space<semaphore_mem>>)
      %dma_wait3A = arith.constant 0 : i32
      %dma_wait3A_270 = arith.constant 999936 : i32
      %dma_wait3A_271 = tpu.memref_slice %arg3[%dma_wait3A, %dma_wait3A_270] : memref<64x1000000xf32, #tpu.memory_space<hbm>> -> memref<64x64xf32, #tpu.memory_space<hbm>>
      %dma_wait3A_272 = arith.constant 0 : i32
      %dma_wait3A_273 = arith.constant 999936 : i32
      %dma_wait3A_274 = tpu.memref_slice %arg3[%dma_wait3A_272, %dma_wait3A_273] : memref<64x1000000xf32, #tpu.memory_space<hbm>> -> memref<64x64xf32, #tpu.memory_space<hbm>>
      tpu.wait_dma2 semaphore(%run_scoped3A : memref<!tpu.dma_semaphore, #tpu.memory_space<semaphore_mem>>) src(%dma_wait3A_274 : memref<64x64xf32, #tpu.memory_space<hbm>>) dst(%arg13 : memref<64x64xf32, #tpu.memory_space<vmem>>)
      tpu.yield
    }) : () -> ()
    %eq3A = arith.constant 4 : i32
    %eq3A_222 = arith.cmpi eq, %add3A, %eq3A : i32
    %jit3A = arith.constant 244 : i32
    %jit3A_223 = arith.constant 270 : i32
    %select_n3A = arith.select %eq3A_222, %jit3A, %jit3A_223 : i32
    %broadcast_in_dim3A_224 = arith.constant 0 : i32
    %broadcast_in_dim3A_225 = vector.broadcast %broadcast_in_dim3A_224 : i32 to vector<16xi32>
    %add3A_226 = vector.broadcast %select_n3A : i32 to vector<16xi32>
    %add3A_227 = arith.addi %broadcast_in_dim3A_225, %add3A_226 : vector<16xi32>
    %gather3A = tpu.vector_load_idx %arg10[%add3A_227] : memref<272xi32, #tpu.memory_space<vmem>>[vector<16xi32>], vector<16xi32>,
    %reduce_max3A = arith.constant true
    %reduce_max3A_228 = vector.broadcast %reduce_max3A : i1 to vector<16xi1>
    %reduce_max3A_229 = arith.constant -2147483648 : i32
    %reduce_max3A_230 = vector.broadcast %reduce_max3A_229 : i32 to vector<16xi32>
    %reduce_max3A_231 = arith.xori %gather3A, %reduce_max3A_230 : vector<16xi32>
    %reduce_max3A_232 = tpu.scan <max>, %reduce_max3A_231 masked %reduce_max3A_228 : vector<16xi32>, vector<16xi1> -> vector<16xi32>
    %reduce_max3A_233 = arith.xori %reduce_max3A_232, %reduce_max3A_230 : vector<16xi32>
    %reduce_max3A_234 = vector.extract %reduce_max3A_233[15] : i32 from vector<16xi32>
    %add3A_235 = arith.constant 1 : i32
    %add3A_236 = arith.addi %select_n3A, %add3A_235 : i32
    %broadcast_in_dim3A_237 = arith.constant 0 : i32
    %broadcast_in_dim3A_238 = vector.broadcast %broadcast_in_dim3A_237 : i32 to vector<16xi32>
    %add3A_239 = vector.broadcast %add3A_236 : i32 to vector<16xi32>
    %add3A_240 = arith.addi %broadcast_in_dim3A_238, %add3A_239 : vector<16xi32>
    %gather3A_241 = tpu.vector_load_idx %arg10[%add3A_240] : memref<272xi32, #tpu.memory_space<vmem>>[vector<16xi32>], vector<16xi32>,
    %reduce_max3A_242 = arith.constant true
    %reduce_max3A_243 = vector.broadcast %reduce_max3A_242 : i1 to vector<16xi1>
    %reduce_max3A_244 = arith.constant -2147483648 : i32
    %reduce_max3A_245 = vector.broadcast %reduce_max3A_244 : i32 to vector<16xi32>
    %reduce_max3A_246 = arith.xori %gather3A_241, %reduce_max3A_245 : vector<16xi32>
    %reduce_max3A_247 = tpu.scan <max>, %reduce_max3A_246 masked %reduce_max3A_243 : vector<16xi32>, vector<16xi1> -> vector<16xi32>
    %reduce_max3A_248 = arith.xori %reduce_max3A_247, %reduce_max3A_245 : vector<16xi32>
    %reduce_max3A_249 = vector.extract %reduce_max3A_248[15] : i32 from vector<16xi32>
    %while3A_250 = arith.subi %reduce_max3A_249, %reduce_max3A_234 : i32
    %while3A_251 = arith.addi %reduce_max3A_234, %while3A_250 : i32
    %while3A_252 = arith.constant 1 : i32
    %while3A_253 = arith.divsi %while3A_250, %while3A_252 : i32
    %while3A_254 = arith.muli %while3A_253, %while3A_252 : i32
    %while3A_255 = arith.addi %reduce_max3A_234, %while3A_254 : i32
    %while3A_256 = arith.constant 1 : i32
    %while3A_257 = scf.for %while3A_264 = %reduce_max3A_234 to %while3A_255 step %while3A_256 iter_args(%while3A_265 = %while3A_221) -> (i32)  : i32 {
      %broadcast_in_dim3A_266 = arith.constant 0 : i32
      %broadcast_in_dim3A_267 = vector.broadcast %broadcast_in_dim3A_266 : i32 to vector<16xi32>
      %add3A_268 = vector.broadcast %while3A_264 : i32 to vector<16xi32>
      %add3A_269 = arith.addi %broadcast_in_dim3A_267, %add3A_268 : vector<16xi32>
      %gather3A_270 = tpu.vector_load_idx %arg8[%add3A_269] : memref<16400xi32, #tpu.memory_space<vmem>>[vector<16xi32>], vector<16xi32>,
      %shift_right_arithmetic3A = arith.constant 7 : i32
      %shift_right_arithmetic3A_271 = vector.broadcast %shift_right_arithmetic3A : i32 to vector<16xi32>
      %shift_right_arithmetic3A_272 = arith.shrsi %gather3A_270, %shift_right_arithmetic3A_271 : vector<16xi32>
      %and3A_273 = arith.constant 127 : i32
      %and3A_274 = vector.broadcast %and3A_273 : i32 to vector<16xi32>
      %and3A_275 = arith.andi %gather3A_270, %and3A_274 : vector<16xi32>
      %and3A_276 = arith.constant 31 : i32
      %and3A_277 = arith.andi %while3A_265, %and3A_276 : i32
      %add3A_278 = arith.constant 0 : i32
      %add3A_279 = vector.broadcast %add3A_278 : i32 to vector<16xi32>
      %add3A_280 = arith.addi %iota3A, %add3A_279 : vector<16xi32>
      %gather3A_281 = tpu.vector_load_idx %arg13[%add3A_280, %and3A_275] : memref<64x64xf32, #tpu.memory_space<vmem>>[vector<16xi32>, vector<16xi32>], vector<16xf32>,
      %broadcast_in_dim3A_282 = arith.constant 0 : i32
      %broadcast_in_dim3A_283 = vector.broadcast %broadcast_in_dim3A_282 : i32 to vector<16xi32>
      %add3A_284 = vector.broadcast %and3A_277 : i32 to vector<16xi32>
      %add3A_285 = arith.addi %broadcast_in_dim3A_283, %add3A_284 : vector<16xi32>
      tpu.vector_store_idx %arg14[%add3A_285, %add3A_280], %gather3A_281 : memref<32x128xf32, #tpu.memory_space<vmem>>[vector<16xi32>, vector<16xi32>], vector<16xf32>,
      %add3A_286 = arith.constant 16 : i32
      %add3A_287 = vector.broadcast %add3A_286 : i32 to vector<16xi32>
      %add3A_288 = arith.addi %iota3A, %add3A_287 : vector<16xi32>
      %gather3A_289 = tpu.vector_load_idx %arg13[%add3A_288, %and3A_275] : memref<64x64xf32, #tpu.memory_space<vmem>>[vector<16xi32>, vector<16xi32>], vector<16xf32>,
      %broadcast_in_dim3A_290 = arith.constant 0 : i32
      %broadcast_in_dim3A_291 = vector.broadcast %broadcast_in_dim3A_290 : i32 to vector<16xi32>
      %add3A_292 = vector.broadcast %and3A_277 : i32 to vector<16xi32>
      %add3A_293 = arith.addi %broadcast_in_dim3A_291, %add3A_292 : vector<16xi32>
      tpu.vector_store_idx %arg14[%add3A_293, %add3A_288], %gather3A_289 : memref<32x128xf32, #tpu.memory_space<vmem>>[vector<16xi32>, vector<16xi32>], vector<16xf32>,
      %add3A_294 = arith.constant 32 : i32
      %add3A_295 = vector.broadcast %add3A_294 : i32 to vector<16xi32>
      %add3A_296 = arith.addi %iota3A, %add3A_295 : vector<16xi32>
      %gather3A_297 = tpu.vector_load_idx %arg13[%add3A_296, %and3A_275] : memref<64x64xf32, #tpu.memory_space<vmem>>[vector<16xi32>, vector<16xi32>], vector<16xf32>,
      %broadcast_in_dim3A_298 = arith.constant 0 : i32
      %broadcast_in_dim3A_299 = vector.broadcast %broadcast_in_dim3A_298 : i32 to vector<16xi32>
      %add3A_300 = vector.broadcast %and3A_277 : i32 to vector<16xi32>
      %add3A_301 = arith.addi %broadcast_in_dim3A_299, %add3A_300 : vector<16xi32>
      tpu.vector_store_idx %arg14[%add3A_301, %add3A_296], %gather3A_297 : memref<32x128xf32, #tpu.memory_space<vmem>>[vector<16xi32>, vector<16xi32>], vector<16xf32>,
      %add3A_302 = arith.constant 48 : i32
      %add3A_303 = vector.broadcast %add3A_302 : i32 to vector<16xi32>
      %add3A_304 = arith.addi %iota3A, %add3A_303 : vector<16xi32>
      %gather3A_305 = tpu.vector_load_idx %arg13[%add3A_304, %and3A_275] : memref<64x64xf32, #tpu.memory_space<vmem>>[vector<16xi32>, vector<16xi32>], vector<16xf32>,
      %broadcast_in_dim3A_306 = arith.constant 0 : i32
      %broadcast_in_dim3A_307 = vector.broadcast %broadcast_in_dim3A_306 : i32 to vector<16xi32>
      %add3A_308 = vector.broadcast %and3A_277 : i32 to vector<16xi32>
      %add3A_309 = arith.addi %broadcast_in_dim3A_307, %add3A_308 : vector<16xi32>
      tpu.vector_store_idx %arg14[%add3A_309, %add3A_304], %gather3A_305 : memref<32x128xf32, #tpu.memory_space<vmem>>[vector<16xi32>, vector<16xi32>], vector<16xf32>,
      %broadcast_in_dim3A_310 = arith.constant 0 : i32
      %broadcast_in_dim3A_311 = vector.broadcast %broadcast_in_dim3A_310 : i32 to vector<16xi32>
      %add3A_312 = vector.broadcast %and3A_277 : i32 to vector<16xi32>
      %add3A_313 = arith.addi %broadcast_in_dim3A_311, %add3A_312 : vector<16xi32>
      tpu.vector_store_idx %arg15[%add3A_313], %shift_right_arithmetic3A_272 : memref<32xi32, #tpu.memory_space<vmem>>[vector<16xi32>], vector<16xi32>,
      %eq3A_314 = arith.constant 31 : i32
      %eq3A_315 = arith.cmpi eq, %and3A_277, %eq3A_314 : i32
      %convert_element_type3A_316 = arith.extui %eq3A_315 : i1 to i32
      %cond3A_317 = arith.constant 0 : i32
      %cond3A_318 = arith.cmpi ne, %convert_element_type3A_316, %cond3A_317 : i32
      scf.if %cond3A_318 {
        %dma_start3A_321 = arith.constant 0 : i32
        %dma_start3A_322 = arith.constant 0 : i32
        %dma_start3A_323 = tpu.memref_slice %arg4[%dma_start3A_321, %dma_start3A_322] : memref<16416x128xf32, #tpu.memory_space<hbm>> -> memref<16416x128xf32, #tpu.memory_space<hbm>>
        tpu.enqueue_indirect_dma source(%arg14 : memref<32x128xf32, #tpu.memory_space<vmem>>) target(%dma_start3A_323 : memref<16416x128xf32, #tpu.memory_space<hbm>>) offsets(%arg15 : memref<32xi32, #tpu.memory_space<vmem>>) semaphore(%arg17 : memref<!tpu.dma_semaphore, #tpu.memory_space<semaphore_mem>>)
        %dma_wait3A = arith.constant 0 : i32
        %dma_wait3A_324 = arith.constant 0 : i32
        %dma_wait3A_325 = tpu.memref_slice %arg4[%dma_wait3A, %dma_wait3A_324] : memref<16416x128xf32, #tpu.memory_space<hbm>> -> memref<16416x128xf32, #tpu.memory_space<hbm>>
        tpu.wait_indirect_dma semaphore(%arg17 : memref<!tpu.dma_semaphore, #tpu.memory_space<semaphore_mem>>) src(%arg14 : memref<32x128xf32, #tpu.memory_space<vmem>>) dst(%dma_wait3A_325 : memref<16416x128xf32, #tpu.memory_space<hbm>>)
      } else {
      }
      %add3A_319 = arith.constant 1 : i32
      %add3A_320 = arith.addi %while3A_265, %add3A_319 : i32
      scf.yield %add3A_320 : i32
    }
    %while3A_258 = arith.constant 1 : i32
    %while3A_259 = scf.for %while3A_264 = %while3A_255 to %while3A_251 step %while3A_258 iter_args(%while3A_265 = %while3A_257) -> (i32)  : i32 {
      %broadcast_in_dim3A_266 = arith.constant 0 : i32
      %broadcast_in_dim3A_267 = vector.broadcast %broadcast_in_dim3A_266 : i32 to vector<16xi32>
      %add3A_268 = vector.broadcast %while3A_264 : i32 to vector<16xi32>
      %add3A_269 = arith.addi %broadcast_in_dim3A_267, %add3A_268 : vector<16xi32>
      %gather3A_270 = tpu.vector_load_idx %arg8[%add3A_269] : memref<16400xi32, #tpu.memory_space<vmem>>[vector<16xi32>], vector<16xi32>,
      %shift_right_arithmetic3A = arith.constant 7 : i32
      %shift_right_arithmetic3A_271 = vector.broadcast %shift_right_arithmetic3A : i32 to vector<16xi32>
      %shift_right_arithmetic3A_272 = arith.shrsi %gather3A_270, %shift_right_arithmetic3A_271 : vector<16xi32>
      %and3A_273 = arith.constant 127 : i32
      %and3A_274 = vector.broadcast %and3A_273 : i32 to vector<16xi32>
      %and3A_275 = arith.andi %gather3A_270, %and3A_274 : vector<16xi32>
      %and3A_276 = arith.constant 31 : i32
      %and3A_277 = arith.andi %while3A_265, %and3A_276 : i32
      %add3A_278 = arith.constant 0 : i32
      %add3A_279 = vector.broadcast %add3A_278 : i32 to vector<16xi32>
      %add3A_280 = arith.addi %iota3A, %add3A_279 : vector<16xi32>
      %gather3A_281 = tpu.vector_load_idx %arg13[%add3A_280, %and3A_275] : memref<64x64xf32, #tpu.memory_space<vmem>>[vector<16xi32>, vector<16xi32>], vector<16xf32>,
      %broadcast_in_dim3A_282 = arith.constant 0 : i32
      %broadcast_in_dim3A_283 = vector.broadcast %broadcast_in_dim3A_282 : i32 to vector<16xi32>
      %add3A_284 = vector.broadcast %and3A_277 : i32 to vector<16xi32>
      %add3A_285 = arith.addi %broadcast_in_dim3A_283, %add3A_284 : vector<16xi32>
      tpu.vector_store_idx %arg14[%add3A_285, %add3A_280], %gather3A_281 : memref<32x128xf32, #tpu.memory_space<vmem>>[vector<16xi32>, vector<16xi32>], vector<16xf32>,
      %add3A_286 = arith.constant 16 : i32
      %add3A_287 = vector.broadcast %add3A_286 : i32 to vector<16xi32>
      %add3A_288 = arith.addi %iota3A, %add3A_287 : vector<16xi32>
      %gather3A_289 = tpu.vector_load_idx %arg13[%add3A_288, %and3A_275] : memref<64x64xf32, #tpu.memory_space<vmem>>[vector<16xi32>, vector<16xi32>], vector<16xf32>,
      %broadcast_in_dim3A_290 = arith.constant 0 : i32
      %broadcast_in_dim3A_291 = vector.broadcast %broadcast_in_dim3A_290 : i32 to vector<16xi32>
      %add3A_292 = vector.broadcast %and3A_277 : i32 to vector<16xi32>
      %add3A_293 = arith.addi %broadcast_in_dim3A_291, %add3A_292 : vector<16xi32>
      tpu.vector_store_idx %arg14[%add3A_293, %add3A_288], %gather3A_289 : memref<32x128xf32, #tpu.memory_space<vmem>>[vector<16xi32>, vector<16xi32>], vector<16xf32>,
      %add3A_294 = arith.constant 32 : i32
      %add3A_295 = vector.broadcast %add3A_294 : i32 to vector<16xi32>
      %add3A_296 = arith.addi %iota3A, %add3A_295 : vector<16xi32>
      %gather3A_297 = tpu.vector_load_idx %arg13[%add3A_296, %and3A_275] : memref<64x64xf32, #tpu.memory_space<vmem>>[vector<16xi32>, vector<16xi32>], vector<16xf32>,
      %broadcast_in_dim3A_298 = arith.constant 0 : i32
      %broadcast_in_dim3A_299 = vector.broadcast %broadcast_in_dim3A_298 : i32 to vector<16xi32>
      %add3A_300 = vector.broadcast %and3A_277 : i32 to vector<16xi32>
      %add3A_301 = arith.addi %broadcast_in_dim3A_299, %add3A_300 : vector<16xi32>
      tpu.vector_store_idx %arg14[%add3A_301, %add3A_296], %gather3A_297 : memref<32x128xf32, #tpu.memory_space<vmem>>[vector<16xi32>, vector<16xi32>], vector<16xf32>,
      %add3A_302 = arith.constant 48 : i32
      %add3A_303 = vector.broadcast %add3A_302 : i32 to vector<16xi32>
      %add3A_304 = arith.addi %iota3A, %add3A_303 : vector<16xi32>
      %gather3A_305 = tpu.vector_load_idx %arg13[%add3A_304, %and3A_275] : memref<64x64xf32, #tpu.memory_space<vmem>>[vector<16xi32>, vector<16xi32>], vector<16xf32>,
      %broadcast_in_dim3A_306 = arith.constant 0 : i32
      %broadcast_in_dim3A_307 = vector.broadcast %broadcast_in_dim3A_306 : i32 to vector<16xi32>
      %add3A_308 = vector.broadcast %and3A_277 : i32 to vector<16xi32>
      %add3A_309 = arith.addi %broadcast_in_dim3A_307, %add3A_308 : vector<16xi32>
      tpu.vector_store_idx %arg14[%add3A_309, %add3A_304], %gather3A_305 : memref<32x128xf32, #tpu.memory_space<vmem>>[vector<16xi32>, vector<16xi32>], vector<16xf32>,
      %broadcast_in_dim3A_310 = arith.constant 0 : i32
      %broadcast_in_dim3A_311 = vector.broadcast %broadcast_in_dim3A_310 : i32 to vector<16xi32>
      %add3A_312 = vector.broadcast %and3A_277 : i32 to vector<16xi32>
      %add3A_313 = arith.addi %broadcast_in_dim3A_311, %add3A_312 : vector<16xi32>
      tpu.vector_store_idx %arg15[%add3A_313], %shift_right_arithmetic3A_272 : memref<32xi32, #tpu.memory_space<vmem>>[vector<16xi32>], vector<16xi32>,
      %eq3A_314 = arith.constant 31 : i32
      %eq3A_315 = arith.cmpi eq, %and3A_277, %eq3A_314 : i32
      %convert_element_type3A_316 = arith.extui %eq3A_315 : i1 to i32
      %cond3A_317 = arith.constant 0 : i32
      %cond3A_318 = arith.cmpi ne, %convert_element_type3A_316, %cond3A_317 : i32
      scf.if %cond3A_318 {
        %dma_start3A_321 = arith.constant 0 : i32
        %dma_start3A_322 = arith.constant 0 : i32
        %dma_start3A_323 = tpu.memref_slice %arg4[%dma_start3A_321, %dma_start3A_322] : memref<16416x128xf32, #tpu.memory_space<hbm>> -> memref<16416x128xf32, #tpu.memory_space<hbm>>
        tpu.enqueue_indirect_dma source(%arg14 : memref<32x128xf32, #tpu.memory_space<vmem>>) target(%dma_start3A_323 : memref<16416x128xf32, #tpu.memory_space<hbm>>) offsets(%arg15 : memref<32xi32, #tpu.memory_space<vmem>>) semaphore(%arg17 : memref<!tpu.dma_semaphore, #tpu.memory_space<semaphore_mem>>)
        %dma_wait3A = arith.constant 0 : i32
        %dma_wait3A_324 = arith.constant 0 : i32
        %dma_wait3A_325 = tpu.memref_slice %arg4[%dma_wait3A, %dma_wait3A_324] : memref<16416x128xf32, #tpu.memory_space<hbm>> -> memref<16416x128xf32, #tpu.memory_space<hbm>>
        tpu.wait_indirect_dma semaphore(%arg17 : memref<!tpu.dma_semaphore, #tpu.memory_space<semaphore_mem>>) src(%arg14 : memref<32x128xf32, #tpu.memory_space<vmem>>) dst(%dma_wait3A_325 : memref<16416x128xf32, #tpu.memory_space<hbm>>)
      } else {
      }
      %add3A_319 = arith.constant 1 : i32
      %add3A_320 = arith.addi %while3A_265, %add3A_319 : i32
      scf.yield %add3A_320 : i32
    }
    %and3A = arith.constant 31 : i32
    %and3A_260 = arith.andi %while3A_259, %and3A : i32
    %ne3A = arith.constant 0 : i32
    %ne3A_261 = arith.cmpi ne, %and3A_260, %ne3A : i32
    %convert_element_type3A_262 = arith.extui %ne3A_261 : i1 to i32
    %cond3A = arith.constant 0 : i32
    %cond3A_263 = arith.cmpi ne, %convert_element_type3A_262, %cond3A : i32
    scf.if %cond3A_263 {
      %dma_start3A_264 = arith.constant 0 : i32
      %dma_start3A_265 = arith.constant 0 : i32
      %dma_start3A_266 = tpu.memref_slice %arg4[%dma_start3A_264, %dma_start3A_265] : memref<16416x128xf32, #tpu.memory_space<hbm>> -> memref<16416x128xf32, #tpu.memory_space<hbm>>
      tpu.enqueue_indirect_dma source(%arg14 : memref<32x128xf32, #tpu.memory_space<vmem>>) target(%dma_start3A_266 : memref<16416x128xf32, #tpu.memory_space<hbm>>) offsets(%arg15 : memref<32xi32, #tpu.memory_space<vmem>>) semaphore(%arg17 : memref<!tpu.dma_semaphore, #tpu.memory_space<semaphore_mem>>)
      %dma_wait3A = arith.constant 0 : i32
      %dma_wait3A_267 = arith.constant 0 : i32
      %dma_wait3A_268 = tpu.memref_slice %arg4[%dma_wait3A, %dma_wait3A_267] : memref<16416x128xf32, #tpu.memory_space<hbm>> -> memref<16416x128xf32, #tpu.memory_space<hbm>>
      tpu.wait_indirect_dma semaphore(%arg17 : memref<!tpu.dma_semaphore, #tpu.memory_space<semaphore_mem>>) src(%arg14 : memref<32x128xf32, #tpu.memory_space<vmem>>) dst(%dma_wait3A_268 : memref<16416x128xf32, #tpu.memory_space<hbm>>)
    } else {
    }
    return
  }
}

</mosaic_0001>

<sc_bundles>
// kernel: kernel.3.cloned.1.call-start
scs
__scs_entry_jumppad:
0x0: {  	(pc) =	sbr.rel $0x88, $3  }
0x1: {  	(tag) =	ssettag $0x0;
	lr =	simm.s32 $0x1  }
0x2: {  	[smem:$0x3F9F] =	sst lr;
	_ =	strace $0xD0000000  }
0x3: {  	_ = 	snop  }
0x4: {  	_ = 	snop  }
0x5: {  	_ = 	snop  }
0x6: {  	_ = 	snop  }
0x7: {  	_ = 	snop  }
__scs_overlays_trampoline_lowered:
0x8: {  	[smem:$0x3FAE] =	sst s0  }
0x9: {  	[smem:$0x3FAF] =	sst s1  }
0xa: {  	[smem:$0x3FB0] =	sst s2  }
0xb: {  	[smem:$0x3FB1] =	sst s3  }
0xc: {  	[smem:$0x3FB2] =	sst s4  }
0xd: {  	[smem:$0x3FB3] =	sst s5  }
0xe: {  	[smem:$0x3FB4] =	sst s6  }
0xf: {  	[smem:$0x3FB5] =	sst s7  }
0x10: {  	[smem:$0x3FB6] =	sst s8  }
0x11: {  	[smem:$0x3FB7] =	sst s9;
	s0 =	simm.s32 @!p0 $0x0  }
0x12: {  	s1 =	sld [smem:$0x3F9D];
	s0 =	simm.s32 @p0 $0x1  }
0x13: {  	[smem:$0x3FB8] =	sst s0;
	s0 =	simm.s32 @!p1 $0x0  }
0x14: {  	s2 =	sld [smem:$0x3F9C];
	s0 =	simm.s32 @p1 $0x1  }
0x15: {  	[smem:$0x3FB9] =	sst s0;
	s0 =	simm.s32 @!p2 $0x0  }
0x16: {  	s3 =	sld [smem:$0x3FDB];
	s0 =	simm.s32 @p2 $0x1  }
0x17: {  	s4 =	simm.s32 $0x1BF5;
	[smem:$0x3FBB] =	sst s0  }
0x18: {  	s0 =	sld [smem:$0x3F9E];
	_ =	swait.ge [sflag:s4], $0x0  }
0x19: {  	s7 =	sld [smem:$0x3F9F]  }
0x1a: {  	s8 =	sadd.s32 $0xFFFFE003, lr  }
0x1b: {  	s9 =	sadd.s32 $0xFFFFFEF7, lr;
	s5 =	simm.s32 $0xFFFFFFFF;
	p2 =	slt.u32 s8, $0xFFFFF086  }
0x1c: {  	p1 =	slt.u32 s9, $0xF7A;
	s5 =	simm.s32 @!p2 $0x0  }
0x1d: {  	s5 =	simm.s32 @p1 $0x1;
	p0 =	seq.s32 s7, s2  }
0x1e: {  	s7 =	smul.u32 @!p0 $0xF7A, s2;
	p2 =	seq.s32 @!p0 s5, $0x0  }
0x1f: {  	s9 =	smul.u32 $0xF7A, s1;
	s8 =	simm.s32 @!p0 $0x1BF5;
	p2 =	por !p2, p0  }
0x20: {  	[sflag:s8] =	ssyncset.s32 @!p0 $0xFFFFF086;
	s6 =	sadd.s32 @!p0 s3, s7;
	s7 =	simm.s32 @!p0 $0x108  }
0x21: {  	s3 =	sadd.s32 s3, s9;
	s6 =	sadd.s32 @!p0 $0x88, s6;
	s7 =	simm.s32 @p2 $0x1082  }
0x22: {  	[simem:s7], [sflag:s8] =	dma.local @!p0 [hbm:s6], $0xF7A  }
0x23: {  	s9 =	sor.u32 $0xD0000000, s2;
	s6 =	simm.s32 $0x108;
	_ =	swait.ge @!p0 [sflag:s8], $0x0  }
0x24: {  	s3 =	sadd.s32 $0x88, s3;
	s6 =	simm.s32 @!p1 $0x1082;
	[sflag:s4] =	ssyncset.s32 $0xFFFFF086  }
0x25: {  	[simem:s6], [sflag:s4] =	dma.local [hbm:s3], $0xF7A  }
0x26: {  	[smem:$0x3F9F] =	sst s1;
	(tag) =	ssettag s2;
	_ =	strace s9  }
0x27: {  	s1 =	sld [smem:$0x3FAF]  }
0x28: {  	s2 =	sld [smem:$0x3FB0]  }
0x29: {  	s4 =	sld [smem:$0x3FB2]  }
0x2a: {  	p0 =	seq.s32 s5, $0x0;
	s5 =	sld [smem:$0x3FB3]  }
0x2b: {  	s6 =	sld [smem:$0x3FB4]  }
0x2c: {  	s7 =	sld [smem:$0x3FB5]  }
0x2d: {  	s3 =	simm.s32 $0x108;
	s8 =	sld [smem:$0x3FB6]  }
0x2e: {  	s3 =	simm.s32 @!p0 $0x1082;
	s9 =	sld [smem:$0x3FB7]  }
0x2f: {  	lr =	sadd.s32 s0, s3;
	s0 =	sld [smem:$0x3FAE]  }
0x30: {  	s3 =	sld [smem:$0x3FB1]  }
0x31: {  	[smem:$0x3FBA] =	sst s10  }
0x32: {  	s10 =	sld [smem:$0x3FB8];
	_ =	sdelay $0x3  }
0x33: {  	p0 =	seq.s32 s10, $0x1;
	s10 =	sld [smem:$0x3FBA];
	_ =	sdelay $0x3  }
0x34: {  	[smem:$0x3FBA] =	sst s10  }
0x35: {  	s10 =	sld [smem:$0x3FB9];
	_ =	sdelay $0x3  }
0x36: {  	p1 =	seq.s32 s10, $0x1;
	s10 =	sld [smem:$0x3FBA];
	_ =	sdelay $0x3  }
0x37: {  	[smem:$0x3FBA] =	sst s10  }
0x38: {  	s10 =	sld [smem:$0x3FBB]  }
0x39: {  	_ = 	snop;
	(pc) =	sbr.ind lr, $3  }
0x3a: {  	_ = 	snop  }
0x3b: {  	_ = 	snop  }
0x3c: {  	p2 =	seq.s32 s10, $0x1;
	s10 =	sld [smem:$0x3FBA]  }
0x3d: {  	_ =	shalt  }
0x3e: {  	_ =	shalt  }
0x3f: {  	_ =	shalt  }
0x40: {  	_ =	shalt  }
0x41: {  	_ =	shalt  }
0x42: {  	_ =	shalt  }
0x43: {  	_ =	shalt  }
0x44: {  	_ =	shalt  }
0x45: {  	_ =	shalt  }
0x46: {  	_ =	shalt  }
0x47: {  	_ =	shalt  }
0x48: {  	_ =	shalt  }
0x49: {  	_ =	shalt  }
0x4a: {  	_ =	shalt  }
0x4b: {  	_ =	shalt  }
0x4c: {  	_ =	shalt  }
0x4d: {  	_ =	shalt  }
0x4e: {  	_ =	shalt  }
0x4f: {  	_ =	shalt  }
0x50: {  	_ =	shalt  }
0x51: {  	_ =	shalt  }
0x52: {  	_ =	shalt  }
0x53: {  	_ =	shalt  }
0x54: {  	_ =	shalt  }
0x55: {  	_ =	shalt  }
0x56: {  	_ =	shalt  }
0x57: {  	_ =	shalt  }
0x58: {  	_ =	shalt  }
0x59: {  	_ =	shalt  }
0x5a: {  	_ =	shalt  }
0x5b: {  	_ =	shalt  }
0x5c: {  	_ =	shalt  }
0x5d: {  	_ =	shalt  }
0x5e: {  	_ =	shalt  }
0x5f: {  	_ =	shalt  }
0x60: {  	_ =	shalt  }
0x61: {  	_ =	shalt  }
0x62: {  	_ =	shalt  }
0x63: {  	_ =	shalt  }
0x64: {  	_ =	shalt  }
0x65: {  	_ =	shalt  }
0x66: {  	_ =	shalt  }
0x67: {  	_ =	shalt  }
0x68: {  	_ =	shalt  }
0x69: {  	_ =	shalt  }
0x6a: {  	_ =	shalt  }
0x6b: {  	_ =	shalt  }
0x6c: {  	_ =	shalt  }
0x6d: {  	_ =	shalt  }
0x6e: {  	_ =	shalt  }
0x6f: {  	_ =	shalt  }
0x70: {  	_ =	shalt  }
0x71: {  	_ =	shalt  }
0x72: {  	_ =	shalt  }
0x73: {  	_ =	shalt  }
0x74: {  	_ =	shalt  }
0x75: {  	_ =	shalt  }
0x76: {  	_ =	shalt  }
0x77: {  	_ =	shalt  }
0x78: {  	_ =	shalt  }
0x79: {  	_ =	shalt  }
0x7a: {  	_ =	shalt  }
0x7b: {  	_ =	shalt  }
0x7c: {  	_ =	shalt  }
0x7d: {  	_ =	shalt  }
0x7e: {  	_ =	shalt  }
0x7f: {  	_ =	shalt  }
0x80: {  	_ =	shalt  }
0x81: {  	_ =	shalt  }
0x82: {  	_ =	shalt  }
0x83: {  	_ =	shalt  }
0x84: {  	_ =	shalt  }
0x85: {  	_ =	shalt  }
0x86: {  	_ =	shalt  }
0x87: {  	_ =	shalt  }
.Lfunc_end0:
.L_simem_size_0:
called_computation_lowered:
.L_overlay_start_0:
0x88: {  	s2 =	sld [smem:$0x3FD9]  }
0x89: {  	s3 =	sld [smem:$0x3FFE];
	_ =	sdelay $0x1  }
0x8a: {  	s1 =	srdreg.scid  }
0x8b: {  	s0 =	sand.u32 $0x1, s1  }
0x8c: {  	s17 =	sshll.u32 s0, $0xA;
	s2 =	sadd.s32 s3, s2  }
0x8d: {  	s2 =	sadd.s32 s2, s17  }
0x8e: {  	[smem:$0x3FC6] =	sst s2  }
0x8f: {  	_ = 	snop  }
0x90: {  	s2 =	sld [smem:$0x3FC9]  }
0x91: {  	s18 =	sld [smem:$0x3FC8];
	(tm) =	ssettm $0x1  }
0x92: {  	s4 =	sld [smem:$0x3FFB];
	_ =	sdelay $0x3  }
0x93: {  	_ =	strace s4  }
0x94: {  	s4 =	sld [smem:$0x3FFC];
	_ =	sdelay $0x3  }
0x95: {  	_ =	strace s4  }
0x96: {  	s4 =	sld [smem:$0x3FFD];
	_ =	sdelay $0x3  }
0x97: {  	_ =	strace s4  }
0x98: {  	_ =	strace $0x8FFFFFFF  }
0x99: {  	s19 =	sld [smem:$0x3FDB];
	_ =	sdelay $0x1  }
0x9a: {  	s5 =	simm.s32 $_scs_section_size  }
0x9b: {  	s6 =	simm.s32 $_size__tile_overlayer_lowered;
	s7 =	simm.s32 $_tile_overlayer_lowered  }
0x9c: {  	s22 =	simm.s32 $0x1BFF;
	s21 =	sshll.u32 s7, $0x1;
	s4 =	sadd.s32 s5, s19  }
0x9d: {  	s8 =	simm.s32 $0x0;
	s20 =	sshll.u32 s6, $0x1;
	s6 =	sadd.s32 s21, s4  }
0x9e: {  	[timem:s8], [sflag:s22] =	dma.local [hbm:s6], s20  }
0x9f: {  	_ =	swait.ge [sflag:s22], s20  }
0xa0: {  	s5 =	ssub.s32 $0x0, s20;
	[sflag:s22] =	ssyncset.done $0x0  }
0xa1: {  	[sflag:s22] =	ssyncadd.s32 s5;
	_ =	sdelay $0x1  }
0xa2: {  	s23 =	simm.s32 $0x1B8B  }
0xa3: {  	_ =	swait.ge [sflag:s23], $0x1  }
0xa4: {  	[sflag:s23] =	ssyncset.done $0x0  }
0xa5: {  	s25 =	simm.s32 $0x1B8E;
	s24 =	sld [smem:$0x3FFE];
	[sflag:s23] =	ssyncadd.s32 $0xFFFFFFFF  }
0xa6: {  	s26 =	simm.s32 $execute0_lowered;
	[smem:$0x3FD2] =	sst s25  }
0xa7: {  	s6 =	sshll.u32 s26, $0x1;
	_ =	strace $0x80000046;
	[dreg:$0x1] =	wrdreg $0xFFFFFFFF  }
0xa8: {  	s28 =	simm.s32 $_size_execute0_lowered;
	s4 =	sadd.s32 s4, s6;
	[dreg:$0x0] =	wrdreg $0x0  }
0xa9: {  	s6 =	sshll.u32 s28, $0x1;
	[dreg:$0x2] =	wrdreg s4  }
0xaa: {  	[dreg:$0x3] =	wrdreg s6  }
0xab: {  	[dreg:$0x4] =	wrdreg $0xC0  }
0xac: {  	_ =	task [dreg:s8], $0x5FFFF  }
0xad: {  	[dreg:$0x1] =	wrdreg $0xFFFFFFFF  }
0xae: {  	[dreg:$0x0] =	wrdreg $0x60  }
0xaf: {  	[dreg:$0x2] =	wrdreg s2  }
0xb0: {  	[dreg:$0x3] =	wrdreg s18  }
0xb1: {  	[dreg:$0x4] =	wrdreg s24  }
0xb2: {  	[dreg:$0x5] =	wrdreg $0x9  }
0xb3: {  	_ =	task.clear_ibuf [dreg:s8], $0x6FFFF;
	_ =	strace $0x90000046  }
0xb4: {  	s29 =	simm.s32 $0x9;
	_ =	strace $0x80000048  }
0xb5: {  	_ =	swait.ge [sflag:s29], $0x1  }
0xb6: {  	[sflag:s29] =	ssyncadd.s32 $0xFFFFFFFF  }
0xb7: {  	_ =	strace $0x90000048  }
0xb8: {  	_ =	sfence  }
0xb9: {  	s30 =	sld [smem:$0x0];
	_ =	sdelay $0x2  }
0xba: {  	s31 =	sshll.u32 s1, $0xD;
	s1 =	sshrl.u32 s1, $0x2  }
0xbb: {  	s3 =	sand.u32 $0x4000, s31;
	s1 =	sadd.s32 s1, s30  }
0xbc: {  	s0 =	sor.u32 s3, s0;
	s1 =	sshll.u32 s1, $0x11  }
0xbd: {  	s0 =	sor.u32 s1, s0  }
0xbe: {  	s0 =	sadd.s32 $0x8F2B, s0  }
0xbf: {  	[sflag:s0] =	ssyncadd.remote.s32 $0x1  }
0xc0: {  	_ =	sfence.sel $0xFFFF  }
0xc1: {  	[dreg:$0x0] =	wrdreg $0xFFFFFFFF;
	(pc) =	sbr.abs _section_cstart, $3  }
0xc2: {  	[dreg:$0x1] =	wrdreg $0xFFFFFFFF  }
0xc3: {  	_ =	task.clear_ibuf [dreg:s8], $0x2FFFF;
	_ =	strace $0x9FFFFFFF  }
0xc4: {  	(tm) =	ssettm $0x7FFFFFFF  }
0xc5: {  	_ =	shalt  }
tec
execute0_lowered:
.L_overlay_start_1:
0x0: {  	(tag) =	ssettag $0x1  }
0x1: {  	s2 =	rddreg [dreg:$0x1]  }
0x2: {  	s0 =	rddreg [dreg:$0x2];
	s4 =	simm.s32 $0x0  }
0x3: {  	s1 =	srdreg.scid;
	s7 =	stileid.u32;
	s15 =	simm.s32 $0x400  }
0x4: {  	s16 =	simm.s32 $0x7A1400;
	s28 =	simm.s32 $0xC100;
	s29 =	simm.s32 $0x10300  }
0x5: {  	s30 =	simm.s32 $0x1;
	s31 =	simm.s32 $0x1E600;
	[smem:$0x7FF] =	sst s4  }
0x6: {  	s1 =	sand.u32 $0x1, s1;
	s6 =	sshll.u32 s7, $0x1;
	s5 =	sadd.s32 $0x400, s0  }
0x7: {  	p0 =	slt.u32 s7, $0x2;
	s25 =	sadd.s32 $0xF4200, s2;
	_ =	strace $0x80000047  }
0x8: {  	s3 =	ssub.s32 $0x2, s1;
	s1 =	sor.u32 s1, s6;
	s6 =	simm.s32 $0xF5  }
0x9: {  	[dreg:$0x8] =	wrdreg s25;
	s25 =	simm.s32 $0x10180;
	s21 =	sshll.u32 s1, $0x7  }
0xa: {  	s20 =	sshrl.u32 s3, $0x1;
	s6 =	simm.s32 @!p0 $0xF4;
	s7 =	sadd.s32 s2, s21  }
0xb: {  	s8 =	sshll.u32 s1, $0xA;
	p0 =	seq.s32 s1, $0x4;
	s22 =	sadd.s32 $0x1000, s7  }
0xc: {  	s0 =	ssub.s32 s3, s20;
	s23 =	sadd.s32 $0x2000, s7;
	[dreg:$0x4] =	wrdreg s22  }
0xd: {  	v1 =	vlaneseq.u32;
	s3 =	simm.s32 $0xF4;
	s24 =	sadd.s32 $0x3000, s7;
	[dreg:$0x5] =	wrdreg s23  }
.Ltmp0:
0xe: {  	v6 =	vimm.s32 $0x0;
	v3 =	vmul.u32 $0x80, v1;
	s9 =	sadd.s32 $0x4000, s7;
	[dreg:$0x6] =	wrdreg s24;
	(pc) =	sbr.rel .LBB2_1-.Ltmp0, $4  }
0xf: {  	v5 =	vor.u32 $0x4000, v1;
	v8 =	vor.u32 $0x10, v1;
	v10 =	vor.u32 $0x20, v1;
	s3 =	simm.s32 @!p0 $0x10E;
	s0 =	smax.u32 s0, $0x1;
	[dreg:$0x7] =	wrdreg s9  }
0x10: {  	v12 =	vor.u32 $0x30, v1;
	v0 =	vmov s1;
	v7 =	vor.u32 $0x800, v3;
	s1 =	simm.s32 $0x0;
	s26 =	sor.u32 $0x1, s3;
	[dreg:$0x9] =	wrdreg s0  }
0x11: {  	v9 =	vor.u32 $0x1000, v3;
	v2 =	vmov s3;
	s22 =	simm.s32 $0x3;
	s23 =	simm.s32 $0x4000;
	s24 =	simm.s32 $0x8080;
	v4 =	vmov s26  }
0x12: {  	v11 =	vor.u32 $0x1800, v3;
	s0 =	simm.s32 $0x1F600;
	s3 =	simm.s32 $0x1C600;
	v2 =	vbroadcast v2, $0x0;
	s26 =	simm.s32 $0x10480;
	v4 =	vbroadcast v4, $0x0  }
.LBB2_22:
0x13: {  	s18 =	smov.u32 s10  }
.LBB2_29:
0x14: {  	s9 =	sand.u32 $0x1F, s18  }
0x15: {  	p0 =	seq.s32 s9, $0x0  }
0x16: {  	s9 =	simm.s32 @!p0 $0x20;
	s10 =	simm.s32 @!p0 $0x1F600;
	s11 =	simm.s32 @!p0 $0x1E600  }
0x17: {  	[hbm4b:s5+s9] =	stream.indirect.scatter @!p0 [tilespmem:s11], [sflag:$0x2], $0x80, s10, s9, $0xb8;
	[tilespmem:$0x1F680] =	vst v63  }
0x18: {  	s9 =	simm.s32 @!p0 $0x2  }
0x19: {  	_ =	swait.ge @!p0 [sflag:s9], $0x1000  }
0x1a: {  	s1 =	sadd.s32 $0x1, s1;
	s21 =	rddreg [dreg:$0x9]  }
0x1b: {  	p1 =	sne.s32 s1, s21  }
.Ltmp1:
0x1c: {  	_ = 	snop;
	(pc) =	sbr.rel @!p1 .LBB2_30-.Ltmp1, $3  }
0x1d: {  	_ =	sdelay $0x1  }
0x1e: {  	[sflag:s9] =	ssyncset.done @!p0 $0x0  }
0x1f: {  	[sflag:s9] =	ssyncadd.s32 @!p0 $0xFFFFF000  }
.LBB2_1:
0x20: {  	s9 =	simm.s32 $0x10600  }
0x21: {  	[tilespmem:s9], [sflag:$0x1] =	stream.strided.gather [hbm4b:s7+s15], $0x2000, s16, s15, $0x38;
	[tilespmem:$0x1F680] =	vst v63  }
0x22: {  	s12 =	rddreg [dreg:$0x4];
	s10 =	simm.s32 $0x12600  }
0x23: {  	[tilespmem:s10], [sflag:$0x1] =	stream.strided.gather [hbm4b:s12+s15], $0x2000, s16, s15, $0x38;
	[tilespmem:$0x1F680] =	vst v63  }
0x24: {  	s13 =	rddreg [dreg:$0x5];
	s14 =	simm.s32 $0x14600  }
0x25: {  	[tilespmem:s14], [sflag:$0x1] =	stream.strided.gather [hbm4b:s13+s15], $0x2000, s16, s15, $0x38;
	[tilespmem:$0x1F680] =	vst v63  }
0x26: {  	s17 =	rddreg [dreg:$0x6];
	s18 =	simm.s32 $0x16600  }
0x27: {  	[tilespmem:s18], [sflag:$0x1] =	stream.strided.gather [hbm4b:s17+s15], $0x2000, s16, s15, $0x38;
	[tilespmem:$0x1F680] =	vst v63  }
0x28: {  	s19 =	rddreg [dreg:$0x7];
	s20 =	simm.s32 $0x18600  }
0x29: {  	[tilespmem:s20], [sflag:$0x1] =	stream.strided.gather [hbm4b:s19+s15], $0x2000, s16, s15, $0x38;
	[tilespmem:$0x1F680] =	vst v63  }
0x2a: {  	s21 =	rddreg [dreg:$0x0]  }
0x2b: {  	[tilespmem:s4], [sflag:$0x3] =	stream.linear.gather [hbm4b:s21+s4], $0x4000, $0x38;
	[tilespmem:$0x1F680] =	vst v63  }
0x2c: {  	_ =	swait.ge [sflag:s22], $0x4000  }
0x2d: {  	[sflag:s22] =	ssyncset.done $0x0  }
0x2e: {  	[sflag:s22] =	ssyncadd.s32 $0xFFFFC000  }
0x2f: {  	[tilespmem:$0x1F600] =	vst v5  }
0x30: {  	[tilespmem:$0x1F610] =	vst v5  }
0x31: {  	[tilespmem:$0x10180] =	vst v6  }
0x32: {  	[tilespmem:$0x10190] =	vst v6  }
0x33: {  	[tilespmem:$0x101A0] =	vst v6  }
0x34: {  	[tilespmem:$0x101B0] =	vst v6  }
0x35: {  	[tilespmem:$0x101C0] =	vst v6  }
0x36: {  	[tilespmem:$0x101D0] =	vst v6  }
0x37: {  	[tilespmem:$0x101E0] =	vst v6  }
0x38: {  	[tilespmem:$0x101F0] =	vst v6  }
0x39: {  	[tilespmem:$0x10200] =	vst v6  }
0x3a: {  	[tilespmem:$0x10210] =	vst v6  }
0x3b: {  	[tilespmem:$0x10220] =	vst v6  }
0x3c: {  	[tilespmem:$0x10230] =	vst v6  }
0x3d: {  	[tilespmem:$0x10240] =	vst v6  }
0x3e: {  	[tilespmem:$0x10250] =	vst v6  }
0x3f: {  	[tilespmem:$0x10260] =	vst v6  }
0x40: {  	[tilespmem:$0x10270] =	vst v6  }
0x41: {  	[tilespmem:$0x10280] =	vst v6  }
0x42: {  	v13 =	vld [tilespmem:s4+$0x0];
	_ =	sdelay $0x4  }
0x43: {  	v14 =	vshrl.u32 v13, $0x7  }
0x44: {  	v14 =	vand.u32 $0x1F, v14  }
0x45: {  	vm0 =	veq.s32 v14, v0  }
0x46: {  	v14 =	vsel vm0, $0x1, v6  }
0x47: {  	(xrf0) =	vadd.scan.msk.s32 $0xffff, v14;
	_ =	sdelay $0x2  }
0x48: {  	v14 =	vmov s4  }
0x49: {  	v14 =	vadd.s32 $0xFFFFFFFF, v14  }
0x4a: {  	v14 =	vbroadcast v14, $0x0  }
0x4b: {  	v15, _, _ =	vpop (xrf0)  }
0x4c: {  	v14 =	vadd.s32 v15, v14;
	(v2sf) =	vpush v15, $0xF  }
0x4d: {  	v14 =	vnsel vm0, $0x4000, v14;
	_ =	sdelay $0x4  }
0x4e: {  	[tilespmem:v14+s23+$0x0] =	vst.idx.msk $0xffff, v13;
	v13 =	vor.u32 s4, v1  }
0x4f: {  	s9 =	simm.s32 $0x10;
	[tilespmem:v14+s24+$0x0] =	vst.idx.msk $0xffff, v13  }
0x50: {  	s11 =	simm.s32 $0x20;
	s10 =	simm.s32 $0x0;
	s17 =	simm.s32 $0x10;
	v13 =	vld [tilespmem:s9+$0x0]  }
.LBB2_2:
0x51: {  	p0 =	seq.s32 s11, $0x3FF0;
	_ =	sdelay $0x3  }
0x52: {  	v14 =	vshrl.u32 v13, $0x7  }
0x53: {  	v14 =	vand.u32 $0x1F, v14  }
0x54: {  	vm0 =	veq.s32 v14, v0;
	s12 =	spop (v2sf)  }
0x55: {  	v14 =	vsel vm0, $0x1, v6;
	s10 =	sadd.s32 s10, s12  }
0x56: {  	v15 =	vmov s10;
	(xrf0) =	vadd.scan.msk.s32 $0xffff, v14  }
0x57: {  	v14 =	vadd.s32 $0xFFFFFFFF, v15  }
0x58: {  	v14 =	vbroadcast v14, $0x0;
	_ =	sdelay $0x3  }
0x59: {  	v15, _, _ =	vpop (xrf0)  }
0x5a: {  	v14 =	vadd.s32 v15, v14;
	(v2sf) =	vpush v15, $0xF  }
0x5b: {  	v14 =	vnsel vm0, $0x4000, v14;
	_ =	sdelay $0x2  }
.Ltmp2:
0x5c: {  	(pc) =	sbr.rel @!p0 .LBB2_2-.Ltmp2, $4  }
0x5d: {  	_ = 	snop  }
0x5e: {  	[tilespmem:v14+s23+$0x0] =	vst.idx.msk $0xffff, v13;
	v13 =	vor.u32 s9, v1;
	s9 =	smov.u32 s11  }
0x5f: {  	s17 =	sadd.s32 $0x10, s17;
	[tilespmem:v14+s24+$0x0] =	vst.idx.msk $0xffff, v13  }
0x60: {  	s11 =	sadd.s32 $0x10, s11;
	v13 =	vld [tilespmem:s17+$0x0]  }
0x61: {  	_ =	sdelay $0x3  }
0x62: {  	v14 =	vshrl.u32 v13, $0x7  }
0x63: {  	v14 =	vand.u32 $0x1F, v14  }
0x64: {  	vm0 =	veq.s32 v14, v0  }
0x65: {  	v14 =	vsel vm0, $0x1, v6  }
0x66: {  	(xrf0) =	vadd.scan.msk.s32 $0xffff, v14;
	_ =	sdelay $0x5  }
0x67: {  	v14, _, _ =	vpop (xrf0)  }
0x68: {  	(v2sf) =	vpush v14, $0xF;
	_ =	sdelay $0x8  }
0x69: {  	s11 =	spop (v2sf)  }
0x6a: {  	s10 =	sadd.s32 s10, s11  }
0x6b: {  	v15 =	vmov s10  }
0x6c: {  	v15 =	vadd.s32 $0xFFFFFFFF, v15  }
0x6d: {  	v15 =	vbroadcast v15, $0x0;
	_ =	sdelay $0x1  }
0x6e: {  	v14 =	vadd.s32 v14, v15;
	s21 =	spop (v2sf)  }
0x6f: {  	v14 =	vnsel vm0, $0x4000, v14;
	s11 =	sadd.s32 s10, s21  }
0x70: {  	p0 =	slt.s32 s11, $0x1  }
.Ltmp3:
0x71: {  	_ = 	snop;
	(pc) =	sbr.rel @p0 .LBB2_7-.Ltmp3, $3  }
0x72: {  	_ =	sdelay $0x1  }
0x73: {  	[tilespmem:v14+s23+$0x0] =	vst.idx.msk $0xffff, v13;
	v13 =	vor.u32 s9, v1  }
0x74: {  	[tilespmem:v14+s24+$0x0] =	vst.idx.msk $0xffff, v13;
	s17 =	sadd.s32 s10, s21  }
0x75: {  	s9 =	simm.s32 $0x0  }
0x76: {  	v13 =	vmov s9;
	_ =	sdelay $0x4  }
0x77: {  	v13 =	vld.idx.msk [tilespmem:v13+s23+$0x0], $0xffff;
	_ =	sdelay $0x4  }
0x78: {  	v13 =	vxor.u32 $0x80000000, v13  }
0x79: {  	(xrf0) =	vmax.scan.msk.u32 $0xffff, v13;
	_ =	sdelay $0x5  }
0x7a: {  	v13, _, _ =	vpop (xrf0)  }
0x7b: {  	(v2sf) =	vpush v13, $0xF;
	_ =	sdelay $0xe  }
0x7c: {  	s21 =	spop (v2sf)  }
0x7d: {  	s9 =	sshra.s32 s21, $0xC  }
0x7e: {  	s9 =	sxor.u32 $0xFFF80000, s9  }
0x7f: {  	p1 =	seq.s32 s17, $0x1;
	v13 =	vmov s9  }
.Ltmp4:
0x80: {  	_ = 	snop;
	(pc) =	sbr.rel @p1 .LBB2_6-.Ltmp4, $2  }
0x81: {  	_ =	sdelay $0x2  }
0x82: {  	s9 =	simm.s32 $0x1;
	v14 =	vld.idx.msk [tilespmem:v13+s25+$0x0], $0xffff  }
.LBB2_5:
0x83: {  	_ = 	snop  }
0x84: {  	v15 =	vmov s9;
	s9 =	sadd.s32 $0x1, s9  }
0x85: {  	p1 =	seq.s32 s17, s9;
	_ =	sdelay $0x1  }
0x86: {  	v14 =	vadd.s32 $0x1, v14  }
0x87: {  	[tilespmem:v13+s25+$0x0] =	vst.idx.msk $0xffff, v14  }
0x88: {  	v13 =	vld.idx.msk [tilespmem:v15+s23+$0x0], $0xffff;
	_ =	sdelay $0x5  }
0x89: {  	v13 =	vxor.u32 $0x80000000, v13  }
0x8a: {  	(xrf0) =	vmax.scan.msk.u32 $0xffff, v13;
	_ =	sdelay $0x5  }
0x8b: {  	v13, _, _ =	vpop (xrf0)  }
0x8c: {  	(v2sf) =	vpush v13, $0xF;
	_ =	sdelay $0xe  }
0x8d: {  	s10 =	spop (v2sf)  }
0x8e: {  	s10 =	sshra.s32 s10, $0xC  }
0x8f: {  	s10 =	sxor.u32 $0xFFF80000, s10  }
0x90: {  	v13 =	vmov s10  }
.Ltmp5:
0x91: {  	(pc) =	sbr.rel @!p1 .LBB2_5-.Ltmp5, $2  }
0x92: {  	_ =	sdelay $0x2  }
0x93: {  	v14 =	vld.idx.msk [tilespmem:v13+s25+$0x0], $0xffff  }
.LBB2_6:
0x94: {  	_ =	sdelay $0x3  }
0x95: {  	v14 =	vadd.s32 $0x1, v14  }
0x96: {  	[tilespmem:v13+s25+$0x0] =	vst.idx.msk $0xffff, v14  }
.LBB2_7:
0x97: {  	s9 =	simm.s32 $0x0  }
0x98: {  	v14 =	vld [tilespmem:s9+$0x10180];
	_ =	sdelay $0x4  }
0x99: {  	(xrf0) =	vadd.scan.msk.s32 $0xffff, v14  }
0x9a: {  	s19 =	simm.s32 $0x10  }
0x9b: {  	v15 =	vld [tilespmem:s19+$0x10180]  }
0x9c: {  	s10 =	simm.s32 $0x20  }
0x9d: {  	v16 =	vld [tilespmem:s10+$0x10180];
	_ =	sdelay $0x1  }
0x9e: {  	v17, _, _ =	vpop (xrf0)  }
0x9f: {  	(xrf0) =	vadd.scan.msk.s32 $0xffff, v15;
	v13 =	vxor.u32 $0x80000000, v17  }
0xa0: {  	(xrf0) =	vmax.scan.msk.u32 $0xffff, v13  }
0xa1: {  	(xrf0) =	vadd.scan.msk.s32 $0xffff, v16  }
0xa2: {  	s18 =	simm.s32 $0x30  }
0xa3: {  	v19 =	vld [tilespmem:s18+$0x10180];
	_ =	sdelay $0x1  }
0xa4: {  	v18, _, _ =	vpop (xrf0)  }
0xa5: {  	v13 =	vxor.u32 $0x80000000, v18;
	v20, _, _ =	vpop (xrf0)  }
0xa6: {  	(xrf0) =	vmax.scan.msk.u32 $0xffff, v13;
	v21, _, _ =	vpop (xrf0)  }
0xa7: {  	(xrf0) =	vadd.scan.msk.s32 $0xffff, v19;
	v13 =	vxor.u32 $0x80000000, v21  }
0xa8: {  	(xrf0) =	vmax.scan.msk.u32 $0xffff, v13;
	_ =	sdelay $0x2  }
0xa9: {  	(v2sf) =	vpush v20, $0xF  }
0xaa: {  	v22 =	vsub.s32 v17, v14;
	v14, _, _ =	vpop (xrf0)  }
0xab: {  	v17 =	vsub.s32 v18, v15;
	v15 =	vsub.s32 v21, v16;
	v16, _, _ =	vpop (xrf0)  }
0xac: {  	s20 =	simm.s32 $0x40;
	(v2sf) =	vpush v14, $0xF;
	v63, _, _ =	vpop (xrf0)  }
0xad: {  	v13 =	vld [tilespmem:s20+$0x10180];
	(v2sf) =	vpush v63, $0xF;
	_ =	sdelay $0x4  }
0xae: {  	s21 =	simm.s32 $0x50;
	(xrf0) =	vadd.scan.msk.s32 $0xffff, v13  }
0xaf: {  	s11 =	simm.s32 $0x0;
	v14 =	vld [tilespmem:s21+$0x10180];
	v20 =	vxor.u32 $0x80000000, v16  }
0xb0: {  	v18 =	vadd.s32 s11, v22;
	(xrf0) =	vmax.scan.msk.u32 $0xffff, v20  }
0xb1: {  	s12 =	simm.s32 $0x180;
	[tilespmem:s9+$0x10300] =	vst v18;
	v16 =	vsub.s32 v16, v19  }
.LBB2_8:
0xb2: {  	s13 =	sshra.s32 s12, $0x2  }
0xb3: {  	[tilespmem:s9+$0x10480] =	vst v18;
	s9 =	smov.u32 s19;
	s19 =	smov.u32 s10;
	p1 =	seq.s32 s12, $0x400  }
.Ltmp6:
0xb4: {  	s12 =	sadd.s32 $0x40, s12;
	(xrf0) =	vadd.scan.msk.s32 $0xffff, v14;
	v18, _, _ =	vpop (xrf0);
	s10 =	spop (v2sf);
	(pc) =	sbr.rel @!p1 .LBB2_8-.Ltmp6, $4  }
0xb5: {  	v19 =	vsub.s32 v18, v13;
	v20 =	vxor.u32 $0x80000000, v18;
	s11 =	sadd.s32 s10, s11;
	v13 =	vmov v14;
	v14 =	vld [tilespmem:s13+$0x10180];
	s10 =	smov.u32 s18;
	s18 =	smov.u32 s20  }
0xb6: {  	s20 =	smov.u32 s21;
	s21 =	smov.u32 s13;
	(xrf0) =	vmax.scan.msk.u32 $0xffff, v20;
	v18, _, _ =	vpop (xrf0);
	s11 =	sadd.s32 $0x80000000, s11  }
0xb7: {  	(v2sf) =	vpush v18, $0xF;
	v18 =	vadd.s32 s11, v17;
	v17 =	vmovc v15;
	v15 =	vmovc v16;
	v16 =	vmov v19  }
0xb8: {  	[tilespmem:s9+$0x10300] =	vst v18  }
0xb9: {  	_ = 	snop  }
0xba: {  	(xrf0) =	vadd.scan.msk.s32 $0xffff, v14  }
0xbb: {  	v19, _, _ =	vpop (xrf0)  }
0xbc: {  	v20 =	vxor.u32 $0x80000000, v19  }
0xbd: {  	(xrf0) =	vmax.scan.msk.u32 $0xffff, v20;
	_ =	sdelay $0x1  }
0xbe: {  	v61, _, _ =	vpop (xrf0)  }
0xbf: {  	v21, _, _ =	vpop (xrf0)  }
0xc0: {  	v22 =	vxor.u32 $0x80000000, v21  }
0xc1: {  	(v2sf) =	vpush v61, $0xF;
	(xrf0) =	vmax.scan.msk.u32 $0xffff, v22  }
0xc2: {  	v62, _, _ =	vpop (xrf0)  }
0xc3: {  	(v2sf) =	vpush v62, $0xF;
	_ =	sdelay $0x3  }
0xc4: {  	v63, _, _ =	vpop (xrf0)  }
0xc5: {  	(v2sf) =	vpush v63, $0xF;
	_ =	sdelay $0x1  }
0xc6: {  	s12 =	spop (v2sf)  }
0xc7: {  	s11 =	sadd.s32 s12, s11  }
0xc8: {  	s14 =	spop (v2sf);
	s11 =	sadd.s32 $0x80000000, s11  }
0xc9: {  	[tilespmem:s9+$0x10480] =	vst v18;
	v17 =	vadd.s32 s11, v17;
	s12 =	sadd.s32 s14, s11  }
0xca: {  	[tilespmem:s19+$0x10300] =	vst v17;
	s9 =	sadd.s32 $0x80000000, s12;
	s13 =	spop (v2sf)  }
0xcb: {  	[tilespmem:s19+$0x10480] =	vst v17;
	v15 =	vadd.s32 s9, v15;
	s9 =	sadd.s32 s13, s9  }
0xcc: {  	[tilespmem:s10+$0x10300] =	vst v15;
	s9 =	sadd.s32 $0x80000000, s9;
	s14 =	spop (v2sf)  }
0xcd: {  	[tilespmem:s10+$0x10480] =	vst v15;
	v15 =	vadd.s32 s9, v16;
	s9 =	sadd.s32 s14, s9  }
0xce: {  	v13 =	vsub.s32 v19, v13;
	[tilespmem:s18+$0x10300] =	vst v15;
	s9 =	sadd.s32 $0x80000000, s9;
	s19 =	spop (v2sf)  }
.Ltmp7:
0xcf: {  	[tilespmem:s18+$0x10480] =	vst v15;
	v13 =	vadd.s32 s9, v13;
	s9 =	sadd.s32 s19, s9;
	(pc) =	sbr.rel @p0 .LBB2_12-.Ltmp7, $4  }
0xd0: {  	v14 =	vsub.s32 v21, v14;
	[tilespmem:s20+$0x10300] =	vst v13;
	s9 =	sadd.s32 $0x80000000, s9  }
0xd1: {  	[tilespmem:s20+$0x10480] =	vst v13;
	v13 =	vadd.s32 s9, v14  }
0xd2: {  	[tilespmem:s21+$0x10300] =	vst v13  }
0xd3: {  	[tilespmem:s21+$0x10480] =	vst v13;
	s21 =	spop (v2sf)  }
0xd4: {  	s9 =	simm.s32 $0x0  }
.LBB2_11:
0xd5: {  	v13 =	vmov s9;
	_ =	sdelay $0x4  }
0xd6: {  	v14 =	vld.idx.msk [tilespmem:v13+s23+$0x0], $0xffff;
	_ =	sdelay $0x4  }
0xd7: {  	v15 =	vxor.u32 $0x80000000, v14  }
0xd8: {  	(xrf0) =	vmax.scan.msk.u32 $0xffff, v15;
	_ =	sdelay $0x5  }
0xd9: {  	v15, _, _ =	vpop (xrf0)  }
0xda: {  	(v2sf) =	vpush v15, $0xF;
	_ =	sdelay $0xe  }
0xdb: {  	s10 =	spop (v2sf)  }
0xdc: {  	s10 =	sshra.s32 s10, $0xC  }
0xdd: {  	s10 =	sxor.u32 $0xFFF80000, s10  }
0xde: {  	v15 =	vmov s10;
	_ =	sdelay $0x4  }
0xdf: {  	v16 =	vld.idx.msk [tilespmem:v15+s26+$0x0], $0xffff;
	_ =	sdelay $0x4  }
0xe0: {  	v16 =	vxor.u32 $0x80000000, v16  }
0xe1: {  	(xrf0) =	vmax.scan.msk.u32 $0xffff, v16;
	_ =	sdelay $0x5  }
0xe2: {  	v16, _, _ =	vpop (xrf0)  }
0xe3: {  	(v2sf) =	vpush v16, $0xF;
	_ =	sdelay $0xe  }
0xe4: {  	v13 =	vld.idx.msk [tilespmem:v13+s24+$0x0], $0xffff;
	s21 =	spop (v2sf)  }
0xe5: {  	s9 =	sadd.s32 $0x1, s9;
	s11 =	sxor.u32 $0x80000000, s21  }
0xe6: {  	p0 =	sne.s32 s17, s9;
	v63 =	vmov s11  }
.Ltmp8:
0xe7: {  	_ = 	snop;
	(pc) =	sbr.rel @p0 .LBB2_11-.Ltmp8, $4  }
0xe8: {  	s10 =	sadd.s32 $0x80000001, s21  }
0xe9: {  	v13 =	vshll.u32 v13, $0x7;
	v14 =	vand.u32 $0x7F, v14;
	v17 =	vmov s10  }
0xea: {  	v13 =	vor.u32 v14, v13;
	[tilespmem:v15+s26+$0x0] =	vst.idx.msk $0xffff, v17  }
0xeb: {  	[tilespmem:v63+s28+$0x0] =	vst.idx.msk $0xffff, v13  }
.LBB2_12:
.Ltmp9:
0xec: {  	(pc) =	sbr.rel .LBB2_14-.Ltmp9, $2  }
0xed: {  	_ =	sdelay $0x2  }
0xee: {  	s10 =	simm.s32 $0x0;
	s18 =	simm.s32 $0x0  }
.LBB2_16:
0xef: {  	s17 =	smov.u32 s10  }
.LBB2_20:
0xf0: {  	_ = 	snop  }
0xf1: {  	p1 =	por p2, !p0  }
0xf2: {  	[sflag:s12] =	ssyncset.done @!p1 $0x0  }
0xf3: {  	[sflag:s12] =	ssyncadd.s32 @!p1 $0xFFFFF000  }
0xf4: {  	v13 =	vld.idx.msk [tilespmem:v13+s28+$0x0], $0xffff;
	_ =	sdelay $0x4  }
0xf5: {  	v14 =	vand.u32 $0x7F, v13  }
0xf6: {  	s9 =	sadd.s32 @p0 $0x1, s17;
	v15 =	vor.u32 v3, v14  }
0xf7: {  	s10 =	smov.u32 @p0 s9  }
0xf8: {  	s9 =	sand.u32 $0x1F, s10  }
0xf9: {  	v16 =	vmov s9  }
0xfa: {  	v17 =	vshll.u32 v16, $0x7  }
0xfb: {  	v18 =	vor.u32 v1, v17;
	v15 =	vld.idx.msk [tilespmem:v15+s20+$0x0], $0xffff  }
0xfc: {  	v19 =	vor.u32 v7, v14;
	_ =	sdelay $0x3  }
0xfd: {  	[tilespmem:v18+s31+$0x0] =	vst.idx.msk $0xffff, v15  }
0xfe: {  	v61 =	vor.u32 v8, v17;
	v15 =	vld.idx.msk [tilespmem:v19+s20+$0x0], $0xffff  }
0xff: {  	v62 =	vor.u32 v9, v14;
	_ =	sdelay $0x3  }
0x100: {  	[tilespmem:v61+s31+$0x0] =	vst.idx.msk $0xffff, v15  }
0x101: {  	v63 =	vor.u32 v10, v17;
	v15 =	vld.idx.msk [tilespmem:v62+s20+$0x0], $0xffff  }
0x102: {  	v14 =	vor.u32 v11, v14;
	_ =	sdelay $0x3  }
0x103: {  	[tilespmem:v63+s31+$0x0] =	vst.idx.msk $0xffff, v15  }
0x104: {  	v15 =	vor.u32 v12, v17;
	v14 =	vld.idx.msk [tilespmem:v14+s20+$0x0], $0xffff;
	_ =	sdelay $0x3  }
0x105: {  	p0 =	sne.s32 s9, $0x1F  }
0x106: {  	s9 =	simm.s32 @!p0 $0x20;
	v13 =	vshra.s32 v13, $0x7;
	[tilespmem:v15+s31+$0x0] =	vst.idx.msk $0xffff, v14  }
0x107: {  	s10 =	simm.s32 @!p0 $0x1F600;
	s11 =	simm.s32 @!p0 $0x1E600;
	s12 =	simm.s32 @!p0 $0x2;
	[tilespmem:v16+s0+$0x0] =	vst.idx.msk $0xffff, v13  }
0x108: {  	[hbm4b:s5+s9] =	stream.indirect.scatter @!p0 [tilespmem:s11], [sflag:$0x2], $0x80, s10, s9, $0xb8;
	[tilespmem:$0x1F680] =	vst v63  }
0x109: {  	_ =	swait.ge @!p0 [sflag:s12], $0x1000  }
0x10a: {  	[sflag:s12] =	ssyncset.done @!p0 $0x0  }
0x10b: {  	s10 =	smov.u32 s19;
	[sflag:s12] =	ssyncadd.s32 @!p0 $0xFFFFF000  }
.LBB2_13:
0x10c: {  	p0 =	seq.s32 s18, s6  }
.Ltmp10:
0x10d: {  	_ = 	snop;
	(pc) =	sbr.rel @p0 .LBB2_21-.Ltmp10, $1  }
0x10e: {  	_ =	sdelay $0x3  }
.LBB2_14:
0x10f: {  	s11 =	sadd.s32 $0x5, s18  }
0x110: {  	p0 =	sge.u32 s11, s6  }
0x111: {  	v13 =	vmov @!p0 s11;
	s12 =	sadd.s32 @!p0 $0x6, s18  }
0x112: {  	v14 =	vmov @!p0 s12;
	_ =	sdelay $0x2  }
0x113: {  	s12 =	simm.s32 @!p0 $0x10300  }
0x114: {  	v13 =	vld.idx.msk @!p0 [tilespmem:v13+s12+$0x0], $0xffff  }
0x115: {  	v14 =	vld.idx.msk @!p0 [tilespmem:v14+s12+$0x0], $0xffff;
	_ =	sdelay $0x3  }
0x116: {  	v13 =	vxor.u32 @!p0 $0x80000000, v13  }
0x117: {  	(xrf0) =	vmax.scan.msk.u32 @!p0 $0xffff, v13;
	v13 =	vxor.u32 @!p0 $0x80000000, v14  }
0x118: {  	(xrf0) =	vmax.scan.msk.u32 @!p0 $0xffff, v13;
	_ =	sdelay $0x4  }
0x119: {  	v13, _, _ =	vpop @!p0 (xrf0)  }
0x11a: {  	(v2sf) =	vpush @!p0 v13, $0xF;
	v13, _, _ =	vpop @!p0 (xrf0)  }
0x11b: {  	(v2sf) =	vpush @!p0 v13, $0xF;
	_ =	sdelay $0xd  }
0x11c: {  	s12 =	spop @!p0 (v2sf)  }
0x11d: {  	s13 =	spop @!p0 (v2sf)  }
0x11e: {  	p1 =	sle.u32 @!p0 s13, s12  }
0x11f: {  	p0 =	por p1, p0  }
0x120: {  	s12 =	smulhi.u32 @!p0 $0xAAAAAAAB, s11;
	_ =	sdelay $0x1  }
0x121: {  	s12 =	sshrl.u32 @!p0 s12, $0x2  }
0x122: {  	s12 =	smul.u32 @!p0 $0x6, s12  }
0x123: {  	s9 =	smov.u32 s18;
	v13 =	vmov s18;
	s18 =	sadd.s32 $0x1, s18;
	s13 =	sshll.u32 @!p0 s11, $0xF  }
0x124: {  	v14 =	vmov s18;
	s11 =	ssub.s32 @!p0 s11, s12;
	s12 =	sor.u32 @!p0 s8, s13  }
0x125: {  	s17 =	simm.s32 @!p0 $0x7A1400;
	s11 =	sshll.u32 @!p0 s11, $0xD;
	s12 =	sshrl.u32 @!p0 s12, $0x3  }
0x126: {  	s13 =	simm.s32 @!p0 $0x400;
	s11 =	sor.u32 @!p0 $0x10600, s11;
	s12 =	sadd.s32 @!p0 s2, s12  }
0x127: {  	[tilespmem:s11], [sflag:$0x1] =	stream.strided.gather @!p0 [hbm4b:s12+s13], $0x2000, s17, s13, $0x38;
	[tilespmem:$0x1F680] =	vst v63  }
0x128: {  	v13 =	vld.idx.msk [tilespmem:v13+s29+$0x0], $0xffff  }
0x129: {  	v14 =	vld.idx.msk [tilespmem:v14+s29+$0x0], $0xffff;
	_ =	sdelay $0x3  }
0x12a: {  	v13 =	vxor.u32 $0x80000000, v13  }
0x12b: {  	(xrf0) =	vmax.scan.msk.u32 $0xffff, v13;
	v13 =	vxor.u32 $0x80000000, v14  }
0x12c: {  	(xrf0) =	vmax.scan.msk.u32 $0xffff, v13;
	_ =	sdelay $0x4  }
0x12d: {  	v13, _, _ =	vpop (xrf0)  }
0x12e: {  	(v2sf) =	vpush v13, $0xF;
	v13, _, _ =	vpop (xrf0)  }
0x12f: {  	(v2sf) =	vpush v13, $0xF;
	_ =	sdelay $0xd  }
0x130: {  	s12 =	spop (v2sf)  }
0x131: {  	p0 =	slt.u32 s9, $0x5;
	s21 =	spop (v2sf)  }
0x132: {  	p1 =	sle.u32 @!p0 s21, s12  }
0x133: {  	p0 =	por p0, !p1  }
0x134: {  	_ =	swait.ge @p0 [sflag:s30], $0x2000  }
0x135: {  	[sflag:s30] =	ssyncset.done @p0 $0x0  }
0x136: {  	[sflag:s30] =	ssyncadd.s32 @p0 $0xFFFFE000;
	p0 =	sle.u32 s21, s12  }
.Ltmp11:
0x137: {  	_ = 	snop;
	(pc) =	sbr.rel @p0 .LBB2_13-.Ltmp11, $1  }
0x138: {  	_ =	sdelay $0x3  }
0x139: {  	s11 =	smulhi.u32 $0xAAAAAAAB, s9;
	_ =	sdelay $0x1  }
0x13a: {  	s11 =	sshrl.u32 s11, $0x2  }
0x13b: {  	s11 =	smul.u32 $0x6, s11;
	_ =	sdelay $0x1  }
0x13c: {  	s20 =	ssub.s32 s9, s11;
	s11 =	sadd.s32 $0x1, s12  }
0x13d: {  	p1 =	seq.s32 s21, s11  }
.Ltmp12:
0x13e: {  	_ = 	snop;
	(pc) =	sbr.rel @p1 .LBB2_16-.Ltmp12, $3  }
0x13f: {  	_ =	sdelay $0x1  }
0x140: {  	s13 =	sadd.s32 s10, s21;
	s17 =	sadd.s32 $0x80000000, s12;
	s9 =	sshll.u32 s20, $0xD  }
0x141: {  	p0 =	por $0x0, $0x0;
	s19 =	ssub.s32 s13, s12;
	v13 =	vmov s17;
	s20 =	sor.u32 $0x10600, s9  }
0x142: {  	_ =	sdelay $0x3  }
0x143: {  	v13 =	vld.idx.msk [tilespmem:v13+s28+$0x0], $0xffff;
	_ =	sdelay $0x4  }
0x144: {  	v14 =	vand.u32 $0x7F, v13  }
0x145: {  	v15 =	vor.u32 v3, v14;
	_ =	sdelay $0x1  }
0x146: {  	s12 =	sand.u32 $0x1F, s10  }
0x147: {  	v16 =	vmov s12  }
0x148: {  	v17 =	vshll.u32 v16, $0x7  }
0x149: {  	v18 =	vor.u32 v1, v17;
	v15 =	vld.idx.msk [tilespmem:v15+s20+$0x0], $0xffff  }
0x14a: {  	v19 =	vor.u32 v7, v14;
	_ =	sdelay $0x3  }
0x14b: {  	[tilespmem:v18+s31+$0x0] =	vst.idx.msk $0xffff, v15  }
0x14c: {  	v61 =	vor.u32 v8, v17;
	v15 =	vld.idx.msk [tilespmem:v19+s20+$0x0], $0xffff  }
0x14d: {  	v62 =	vor.u32 v9, v14;
	_ =	sdelay $0x3  }
0x14e: {  	[tilespmem:v61+s31+$0x0] =	vst.idx.msk $0xffff, v15  }
0x14f: {  	v63 =	vor.u32 v10, v17;
	v15 =	vld.idx.msk [tilespmem:v62+s20+$0x0], $0xffff  }
0x150: {  	v14 =	vor.u32 v11, v14;
	_ =	sdelay $0x3  }
0x151: {  	[tilespmem:v63+s31+$0x0] =	vst.idx.msk $0xffff, v15  }
0x152: {  	v15 =	vor.u32 v12, v17;
	v14 =	vld.idx.msk [tilespmem:v14+s20+$0x0], $0xffff;
	_ =	sdelay $0x3  }
0x153: {  	s9 =	sadd.s32 $0x1, s11;
	p2 =	sne.s32 s12, $0x1F  }
0x154: {  	p1 =	seq.s32 s21, s9;
	s12 =	simm.s32 @!p2 $0x20;
	v13 =	vshra.s32 v13, $0x7;
	[tilespmem:v15+s31+$0x0] =	vst.idx.msk $0xffff, v14  }
.Ltmp13:
0x155: {  	s13 =	simm.s32 @!p2 $0x1F600;
	s17 =	simm.s32 @!p2 $0x1E600;
	[tilespmem:v16+s0+$0x0] =	vst.idx.msk $0xffff, v13;
	(pc) =	sbr.rel @p1 .LBB2_18-.Ltmp13, $4  }
0x156: {  	[hbm4b:s5+s12] =	stream.indirect.scatter @!p2 [tilespmem:s17], [sflag:$0x2], $0x80, s13, s12, $0xb8;
	[tilespmem:$0x1F680] =	vst v63  }
0x157: {  	s17 =	sadd.s32 $0x80000000, s11  }
0x158: {  	s12 =	simm.s32 @!p2 $0x2;
	v13 =	vmov s17  }
0x159: {  	p0 =	por $0x1, $0x1;
	_ =	swait.ge @!p2 [sflag:s12], $0x1000;
	s17 =	smov.u32 s10  }
.LBB2_19:
0x15a: {  	[sflag:s12] =	ssyncset.done @!p2 $0x0  }
0x15b: {  	s17 =	sadd.s32 $0x1, s17;
	s11 =	smov.u32 s9;
	s9 =	sadd.s32 $0x1, s9  }
0x15c: {  	p1 =	seq.s32 s21, s9;
	[sflag:s12] =	ssyncadd.s32 @!p2 $0xFFFFF000  }
0x15d: {  	v13 =	vld.idx.msk [tilespmem:v13+s28+$0x0], $0xffff;
	_ =	sdelay $0x5  }
0x15e: {  	v14 =	vand.u32 $0x7F, v13  }
0x15f: {  	v15 =	vor.u32 v3, v14;
	_ =	sdelay $0x1  }
0x160: {  	s12 =	sand.u32 $0x1F, s17  }
0x161: {  	v16 =	vmov s12  }
0x162: {  	v17 =	vshll.u32 v16, $0x7  }
0x163: {  	v18 =	vor.u32 v1, v17;
	v15 =	vld.idx.msk [tilespmem:v15+s20+$0x0], $0xffff  }
0x164: {  	v19 =	vor.u32 v7, v14;
	_ =	sdelay $0x4  }
0x165: {  	[tilespmem:v18+s31+$0x0] =	vst.idx.msk $0xffff, v15  }
0x166: {  	v18 =	vor.u32 v8, v17;
	v15 =	vld.idx.msk [tilespmem:v19+s20+$0x0], $0xffff  }
0x167: {  	v19 =	vor.u32 v9, v14;
	_ =	sdelay $0x4  }
0x168: {  	[tilespmem:v18+s31+$0x0] =	vst.idx.msk $0xffff, v15  }
0x169: {  	v18 =	vor.u32 v10, v17;
	v15 =	vld.idx.msk [tilespmem:v19+s20+$0x0], $0xffff  }
0x16a: {  	v14 =	vor.u32 v11, v14;
	_ =	sdelay $0x4  }
0x16b: {  	[tilespmem:v18+s31+$0x0] =	vst.idx.msk $0xffff, v15  }
0x16c: {  	v15 =	vor.u32 v12, v17;
	v14 =	vld.idx.msk [tilespmem:v14+s20+$0x0], $0xffff;
	_ =	sdelay $0x4  }
.Ltmp14:
0x16d: {  	s11 =	sadd.s32 $0x80000000, s11;
	p2 =	sne.s32 s12, $0x1F;
	v17 =	vshra.s32 v13, $0x7;
	(pc) =	sbr.rel @!p1 .LBB2_19-.Ltmp14, $4  }
0x16e: {  	s13 =	simm.s32 @!p2 $0x1F600;
	s14 =	simm.s32 @!p2 $0x1E600;
	v13 =	vmov s11;
	s11 =	simm.s32 @!p2 $0x20;
	[tilespmem:v15+s31+$0x0] =	vst.idx.msk $0xffff, v14  }
0x16f: {  	s12 =	simm.s32 @!p2 $0x2;
	[tilespmem:v16+s0+$0x0] =	vst.idx.msk $0xffff, v17  }
0x170: {  	[hbm4b:s5+s11] =	stream.indirect.scatter @!p2 [tilespmem:s14], [sflag:$0x2], $0x80, s13, s11, $0xb8;
	[tilespmem:$0x1F680] =	vst v63  }
0x171: {  	_ =	swait.ge @!p2 [sflag:s12], $0x1000  }
.Ltmp15:
0x172: {  	_ = 	snop;
	(pc) =	sbr.rel .LBB2_20-.Ltmp15, $1  }
0x173: {  	_ =	sdelay $0x3  }
.LBB2_18:
.Ltmp16:
0x174: {  	(pc) =	sbr.rel .LBB2_20-.Ltmp16, $2  }
0x175: {  	_ =	sdelay $0x2  }
0x176: {  	s17 =	smov.u32 s10  }
.LBB2_21:
0x177: {  	s9 =	rddreg [dreg:$0x8]  }
0x178: {  	[tilespmem:s3], [sflag:$0x3] =	stream.strided.gather [hbm4b:s9+s15], $0x2000, s16, s15, $0x38;
	[tilespmem:$0x1F680] =	vst v63  }
0x179: {  	_ =	swait.ge [sflag:s22], $0x2000  }
0x17a: {  	[sflag:s22] =	ssyncset.done $0x0  }
0x17b: {  	[sflag:s22] =	ssyncadd.s32 $0xFFFFE000  }
0x17c: {  	v13 =	vld.idx.msk [tilespmem:v2+s29+$0x0], $0xffff  }
0x17d: {  	v14 =	vld.idx.msk [tilespmem:v4+s29+$0x0], $0xffff;
	_ =	sdelay $0x3  }
0x17e: {  	v13 =	vxor.u32 $0x80000000, v13  }
0x17f: {  	(xrf0) =	vmax.scan.msk.u32 $0xffff, v13;
	v13 =	vxor.u32 $0x80000000, v14  }
0x180: {  	(xrf0) =	vmax.scan.msk.u32 $0xffff, v13;
	_ =	sdelay $0x4  }
0x181: {  	v13, _, _ =	vpop (xrf0)  }
0x182: {  	(v2sf) =	vpush v13, $0xF;
	v13, _, _ =	vpop (xrf0)  }
0x183: {  	(v2sf) =	vpush v13, $0xF;
	_ =	sdelay $0xd  }
0x184: {  	s9 =	spop (v2sf)  }
0x185: {  	s19 =	spop (v2sf)  }
0x186: {  	p0 =	sle.u32 s19, s9  }
.Ltmp17:
0x187: {  	_ = 	snop;
	(pc) =	sbr.rel @p0 .LBB2_22-.Ltmp17, $1  }
0x188: {  	_ =	sdelay $0x3  }
0x189: {  	s11 =	sadd.s32 $0x1, s9  }
0x18a: {  	p1 =	sne.s32 s19, s11  }
.Ltmp18:
0x18b: {  	_ = 	snop;
	(pc) =	sbr.rel @!p1 .LBB2_24-.Ltmp18, $3  }
0x18c: {  	_ =	sdelay $0x1  }
0x18d: {  	s12 =	ssub.s32 s19, s9;
	s21 =	sadd.s32 $0x80000000, s9  }
0x18e: {  	p0 =	por $0x0, $0x0;
	s18 =	sadd.s32 s10, s12;
	v13 =	vmov s21  }
0x18f: {  	_ =	sdelay $0x3  }
0x190: {  	v13 =	vld.idx.msk [tilespmem:v13+s28+$0x0], $0xffff;
	_ =	sdelay $0x4  }
0x191: {  	v14 =	vand.u32 $0x7F, v13  }
0x192: {  	v15 =	vor.u32 v3, v14;
	_ =	sdelay $0x1  }
0x193: {  	s12 =	sand.u32 $0x1F, s10  }
0x194: {  	v16 =	vmov s12  }
0x195: {  	v17 =	vshll.u32 v16, $0x7  }
0x196: {  	v18 =	vor.u32 v1, v17;
	v15 =	vld.idx.msk [tilespmem:v15+s3+$0x0], $0xffff  }
0x197: {  	v19 =	vor.u32 v7, v14;
	_ =	sdelay $0x3  }
0x198: {  	[tilespmem:v18+s31+$0x0] =	vst.idx.msk $0xffff, v15  }
0x199: {  	v61 =	vor.u32 v8, v17;
	v15 =	vld.idx.msk [tilespmem:v19+s3+$0x0], $0xffff  }
0x19a: {  	v62 =	vor.u32 v9, v14;
	_ =	sdelay $0x3  }
0x19b: {  	[tilespmem:v61+s31+$0x0] =	vst.idx.msk $0xffff, v15  }
0x19c: {  	v63 =	vor.u32 v10, v17;
	v15 =	vld.idx.msk [tilespmem:v62+s3+$0x0], $0xffff  }
0x19d: {  	v14 =	vor.u32 v11, v14;
	_ =	sdelay $0x3  }
0x19e: {  	[tilespmem:v63+s31+$0x0] =	vst.idx.msk $0xffff, v15  }
0x19f: {  	v15 =	vor.u32 v12, v17;
	v14 =	vld.idx.msk [tilespmem:v14+s3+$0x0], $0xffff;
	_ =	sdelay $0x2  }
0x1a0: {  	s9 =	sadd.s32 $0x1, s11  }
0x1a1: {  	p1 =	sne.s32 s19, s9  }
.Ltmp19:
0x1a2: {  	s21 =	sadd.s32 $0x80000000, s11;
	p2 =	sne.s32 s12, $0x1F;
	v13 =	vshra.s32 v13, $0x7;
	[tilespmem:v15+s31+$0x0] =	vst.idx.msk $0xffff, v14;
	(pc) =	sbr.rel @!p1 .LBB2_26-.Ltmp19, $4  }
0x1a3: {  	s12 =	simm.s32 @!p2 $0x20;
	s13 =	simm.s32 @!p2 $0x1F600;
	s14 =	simm.s32 @!p2 $0x1E600;
	[tilespmem:v16+s0+$0x0] =	vst.idx.msk $0xffff, v13  }
0x1a4: {  	[hbm4b:s5+s12] =	stream.indirect.scatter @!p2 [tilespmem:s14], [sflag:$0x2], $0x80, s13, s12, $0xb8;
	[tilespmem:$0x1F680] =	vst v63  }
0x1a5: {  	v13 =	vmov s21;
	s12 =	simm.s32 @!p2 $0x2  }
0x1a6: {  	p0 =	por $0x1, $0x1;
	s17 =	smov.u32 s10;
	_ =	swait.ge @!p2 [sflag:s12], $0x1000  }
.LBB2_27:
0x1a7: {  	[sflag:s12] =	ssyncset.done @!p2 $0x0  }
0x1a8: {  	s17 =	sadd.s32 $0x1, s17;
	s11 =	smov.u32 s9;
	s9 =	sadd.s32 $0x1, s9  }
0x1a9: {  	p1 =	sne.s32 s19, s9;
	[sflag:s12] =	ssyncadd.s32 @!p2 $0xFFFFF000  }
0x1aa: {  	v13 =	vld.idx.msk [tilespmem:v13+s28+$0x0], $0xffff;
	_ =	sdelay $0x5  }
0x1ab: {  	v14 =	vand.u32 $0x7F, v13  }
0x1ac: {  	v15 =	vor.u32 v3, v14;
	_ =	sdelay $0x1  }
0x1ad: {  	s12 =	sand.u32 $0x1F, s17  }
0x1ae: {  	v16 =	vmov s12  }
0x1af: {  	v17 =	vshll.u32 v16, $0x7  }
0x1b0: {  	v18 =	vor.u32 v1, v17;
	v15 =	vld.idx.msk [tilespmem:v15+s3+$0x0], $0xffff  }
0x1b1: {  	v19 =	vor.u32 v7, v14;
	_ =	sdelay $0x4  }
0x1b2: {  	[tilespmem:v18+s31+$0x0] =	vst.idx.msk $0xffff, v15  }
0x1b3: {  	v18 =	vor.u32 v8, v17;
	v15 =	vld.idx.msk [tilespmem:v19+s3+$0x0], $0xffff  }
0x1b4: {  	v19 =	vor.u32 v9, v14;
	_ =	sdelay $0x4  }
0x1b5: {  	[tilespmem:v18+s31+$0x0] =	vst.idx.msk $0xffff, v15  }
0x1b6: {  	v18 =	vor.u32 v10, v17;
	v15 =	vld.idx.msk [tilespmem:v19+s3+$0x0], $0xffff  }
0x1b7: {  	v14 =	vor.u32 v11, v14;
	_ =	sdelay $0x4  }
0x1b8: {  	[tilespmem:v18+s31+$0x0] =	vst.idx.msk $0xffff, v15  }
0x1b9: {  	v15 =	vor.u32 v12, v17;
	v14 =	vld.idx.msk [tilespmem:v14+s3+$0x0], $0xffff;
	_ =	sdelay $0x4  }
.Ltmp20:
0x1ba: {  	s11 =	sadd.s32 $0x80000000, s11;
	p2 =	sne.s32 s12, $0x1F;
	v17 =	vshra.s32 v13, $0x7;
	(pc) =	sbr.rel @p1 .LBB2_27-.Ltmp20, $4  }
0x1bb: {  	s13 =	simm.s32 @!p2 $0x1F600;
	s14 =	simm.s32 @!p2 $0x1E600;
	v13 =	vmov s11;
	s11 =	simm.s32 @!p2 $0x20;
	[tilespmem:v15+s31+$0x0] =	vst.idx.msk $0xffff, v14  }
0x1bc: {  	s12 =	simm.s32 @!p2 $0x2;
	[tilespmem:v16+s0+$0x0] =	vst.idx.msk $0xffff, v17  }
0x1bd: {  	[hbm4b:s5+s11] =	stream.indirect.scatter @!p2 [tilespmem:s14], [sflag:$0x2], $0x80, s13, s11, $0xb8;
	[tilespmem:$0x1F680] =	vst v63  }
0x1be: {  	_ =	swait.ge @!p2 [sflag:s12], $0x1000  }
.LBB2_28:
0x1bf: {  	_ = 	snop  }
0x1c0: {  	p1 =	por p2, !p0  }
0x1c1: {  	[sflag:s12] =	ssyncset.done @!p1 $0x0  }
0x1c2: {  	[sflag:s12] =	ssyncadd.s32 @!p1 $0xFFFFF000  }
0x1c3: {  	v13 =	vld.idx.msk [tilespmem:v13+s28+$0x0], $0xffff;
	_ =	sdelay $0x4  }
0x1c4: {  	v14 =	vand.u32 $0x7F, v13  }
0x1c5: {  	s9 =	sadd.s32 @p0 $0x1, s17;
	v15 =	vor.u32 v3, v14  }
0x1c6: {  	s10 =	smov.u32 @p0 s9  }
0x1c7: {  	s9 =	sand.u32 $0x1F, s10  }
0x1c8: {  	v16 =	vmov s9  }
0x1c9: {  	v17 =	vshll.u32 v16, $0x7  }
0x1ca: {  	v18 =	vor.u32 v1, v17;
	v15 =	vld.idx.msk [tilespmem:v15+s3+$0x0], $0xffff  }
0x1cb: {  	v19 =	vor.u32 v7, v14;
	_ =	sdelay $0x3  }
0x1cc: {  	[tilespmem:v18+s31+$0x0] =	vst.idx.msk $0xffff, v15  }
0x1cd: {  	v61 =	vor.u32 v8, v17;
	v15 =	vld.idx.msk [tilespmem:v19+s3+$0x0], $0xffff  }
0x1ce: {  	v62 =	vor.u32 v9, v14;
	_ =	sdelay $0x3  }
0x1cf: {  	[tilespmem:v61+s31+$0x0] =	vst.idx.msk $0xffff, v15  }
0x1d0: {  	v63 =	vor.u32 v10, v17;
	v15 =	vld.idx.msk [tilespmem:v62+s3+$0x0], $0xffff  }
0x1d1: {  	v14 =	vor.u32 v11, v14;
	_ =	sdelay $0x3  }
0x1d2: {  	[tilespmem:v63+s31+$0x0] =	vst.idx.msk $0xffff, v15  }
0x1d3: {  	v15 =	vor.u32 v12, v17;
	v14 =	vld.idx.msk [tilespmem:v14+s3+$0x0], $0xffff;
	_ =	sdelay $0x3  }
0x1d4: {  	p0 =	sne.s32 s9, $0x1F  }
0x1d5: {  	s9 =	simm.s32 @!p0 $0x20;
	s10 =	simm.s32 @!p0 $0x1F600;
	v13 =	vshra.s32 v13, $0x7;
	[tilespmem:v15+s31+$0x0] =	vst.idx.msk $0xffff, v14  }
.Ltmp21:
0x1d6: {  	s11 =	simm.s32 @!p0 $0x1E600;
	s12 =	simm.s32 @!p0 $0x2;
	[tilespmem:v16+s0+$0x0] =	vst.idx.msk $0xffff, v13;
	(pc) =	sbr.rel .LBB2_29-.Ltmp21, $4  }
0x1d7: {  	[hbm4b:s5+s9] =	stream.indirect.scatter @!p0 [tilespmem:s11], [sflag:$0x2], $0x80, s10, s9, $0xb8;
	[tilespmem:$0x1F680] =	vst v63  }
0x1d8: {  	_ =	swait.ge @!p0 [sflag:s12], $0x1000  }
0x1d9: {  	[sflag:s12] =	ssyncset.done @!p0 $0x0  }
0x1da: {  	[sflag:s12] =	ssyncadd.s32 @!p0 $0xFFFFF000  }
.LBB2_24:
.Ltmp22:
0x1db: {  	(pc) =	sbr.rel .LBB2_28-.Ltmp22, $2  }
0x1dc: {  	_ =	sdelay $0x2  }
0x1dd: {  	s17 =	smov.u32 s10  }
.LBB2_26:
.Ltmp23:
0x1de: {  	(pc) =	sbr.rel .LBB2_28-.Ltmp23, $2  }
0x1df: {  	_ =	sdelay $0x2  }
0x1e0: {  	s17 =	smov.u32 s10  }
.LBB2_30:
0x1e1: {  	_ =	sfence.sel $0x180000  }
0x1e2: {  	[bflag:$0x0] =	sbarrier.arrive $0xFFFF  }
0x1e3: {  	_ =	strace $0x90000047  }
0x1e4: {  	s0 =	stileid.u32;
	[bflag:$0x2] =	sbarrier.arrive $0xFFFF  }
0x1e5: {  	p0 =	sne.s32 s0, $0x0;
	s0 =	rddreg [dreg:$0x3]  }
0x1e6: {  	s0 =	sadd.s32 @!p0 $0x100000, s0  }
0x1e7: {  	[sflag:s0] =	ssyncadd.tile.s32 @!p0 $0x1;
	_ =	shalt  }
.Lfunc_end2:
_tile_overlayer_lowered:
.L_overlay_start_2:
0x1e8: {  	(tag) =	ssettag $0x2  }
0x1e9: {  	s0 =	rddreg [dreg:$0x0];
	s2 =	stileid.u32  }
0x1ea: {  	s1 =	rddreg [dreg:$0x1];
	p0 =	sne.s32 s2, $0x0  }
0x1eb: {  	s3 =	rddreg [dreg:$0x2];
	[bflag:$0x3] =	sbarrier.arrive $0xFFFF;
	s2 =	simm.s32 @!p0 $0x1C03  }
0x1ec: {  	[timem:s3], [sflag:s2] =	dma.local @!p0 [hbm:s0], s1  }
0x1ed: {  	s0 =	simm.s32 @!p0 $0x3  }
0x1ee: {  	_ =	swait.ge @!p0 [sflag:s0], s1  }
0x1ef: {  	s1 =	ssub.s32 @!p0 $0x0, s1;
	[sflag:s0] =	ssyncset.done @!p0 $0x0  }
0x1f0: {  	[sflag:s0] =	ssyncadd.s32 @!p0 s1  }
0x1f1: {  	[bflag:$0x3] =	sbarrier.arrive $0xFFFF  }
0x1f2: {  	_ =	shalt  }

</sc_bundles>
